<compile_context>
chip_gen: v7x
topology: tpu7x:2x2x1
jax: 0.10.2.dev20260603
libtpu: 0.0.44.dev20260713+nightly
codegen_flags: <defaults>
</compile_context>

<pallas_src>
import functools

import jax
import jax.numpy as jnp
from jax import lax
from jax.experimental import pallas as pl
from jax.experimental.pallas import tpu as pltpu
from jax.experimental.pallas import tpu_sc as plsc

B, N, D, H1, H2, R = 1024, 8, 512, 512, 256, 8
T = B * N
BLK = 128
NBLK = T // BLK
MT = 512
NT = T // MT + R
P = NT * MT

_NC, _NS = 2, 16
_NW = _NC * _NS
_PW = T // _NW
_SCH = 64
_SNC = _PW // _SCH
_GCH = 128


def _leaky(x):
    return jnp.where(x >= 0, x, 0.01 * x)


def _route_body(s_ref, dest_ref, texp_ref):
    sv = s_ref[...]
    jj = lax.broadcasted_iota(jnp.int32, (BLK, BLK), 0)
    ii = lax.broadcasted_iota(jnp.int32, (BLK, BLK), 1)
    tri = (jj < ii).astype(jnp.float32)
    tj = lax.broadcasted_iota(jnp.int32, (NBLK, NBLK), 1)
    ti = lax.broadcasted_iota(jnp.int32, (NBLK, NBLK), 0)
    tri_blk = (tj < ti).astype(jnp.float32)
    lane = lax.broadcasted_iota(jnp.int32, (1, 128), 1)

    dest_acc = jnp.zeros((NBLK, BLK), jnp.float32)
    texp_acc = jnp.zeros((1, 128), jnp.int32)
    ptile = jnp.float32(0.0)
    for r in range(R):
        oh = (sv == r).astype(jnp.float32)
        excl = jnp.dot(oh, tri, preferred_element_type=jnp.float32)
        counts = jnp.sum(oh, axis=1, keepdims=True)
        base = jnp.dot(tri_blk, counts, preferred_element_type=jnp.float32)
        if r > 0:
            texp_acc = texp_acc + (lane.astype(jnp.float32) >= ptile).astype(jnp.int32)
        dest_acc = dest_acc + oh * (ptile * MT + base + excl)
        total = jnp.sum(counts)
        ptile = ptile + jnp.floor((total + (MT - 1)) * (1.0 / MT))
    dest_ref[...] = dest_acc.astype(jnp.int32)
    texp_ref[...] = texp_acc


def _group_body(texp_ref, xa_ref, xo_ref, w1a_ref, w1o_ref, b1_ref, w2_ref,
                b2_ref, out_ref):
    bf = jnp.bfloat16
    r = texp_ref[pl.program_id(0)]
    h = jnp.dot(xa_ref[...].astype(bf), w1a_ref[r],
                preferred_element_type=jnp.float32)
    h = h + jnp.dot(xo_ref[...].astype(bf), w1o_ref[r],
                    preferred_element_type=jnp.float32)
    h = _leaky(h + b1_ref[r])
    g = _leaky(jnp.dot(h.astype(bf), w2_ref[r],
                       preferred_element_type=jnp.float32) + b2_ref[r])
    gi = jax.lax.bitcast_convert_type(g, jnp.int32)
    rnd = gi + 0x7FFF + ((gi >> 16) & 1)
    lo = (rnd[:, :H2 // 2] >> 16) & 0xFFFF
    hi = rnd[:, H2 // 2:] & jnp.int32(-65536)
    out_ref[...] = hi | lo


def _uidot_body(u_ref, i_ref, w1u_ref, w1i_ref, b1_ref, w2_ref, b2_ref,
                aos_ref, out_ref):
    bf = jnp.bfloat16
    h = jnp.dot(u_ref[...].astype(bf), w1u_ref[...],
                preferred_element_type=jnp.float32)
    h = h + jnp.dot(i_ref[...].astype(bf), w1i_ref[...],
                    preferred_element_type=jnp.float32)
    h = _leaky(h + b1_ref[...])
    ui = _leaky(jnp.dot(h.astype(bf), w2_ref[...],
                        preferred_element_type=jnp.float32) + b2_ref[...])
    packed = aos_ref[...]
    lo = jax.lax.bitcast_convert_type(packed << 16, jnp.float32)
    hi = jax.lax.bitcast_convert_type(packed & jnp.int32(-65536), jnp.float32)
    aos = jnp.concatenate([lo, hi], axis=-1).reshape(B, N, H2)
    out_ref[...] = jnp.sum(aos * ui[:, None, :], axis=-1)


def _sc_scatter_body(a_hbm, o_hbm, dest_hbm, xa_hbm, xo_hbm, idx_v, rows_a,
                     rows_o, sem_a, sem_o):
    wid = lax.axis_index("s") * _NC + lax.axis_index("c")
    base = wid * _PW
    pend_a = pend_o = None
    for c in range(_SNC):
        cb = base + c * _SCH
        pltpu.sync_copy(dest_hbm.at[pl.ds(cb, _SCH)], idx_v.at[c])
        if pend_a is not None:
            pend_a.wait()
        pltpu.sync_copy(a_hbm.at[pl.ds(cb, _SCH)], rows_a)
        pend_a = pltpu.async_copy(rows_a, xa_hbm.at[idx_v.at[c]], sem_a)
        if pend_o is not None:
            pend_o.wait()
        pltpu.sync_copy(o_hbm.at[pl.ds(cb, _SCH)], rows_o)
        pend_o = pltpu.async_copy(rows_o, xo_hbm.at[idx_v.at[c]], sem_o)
    pend_a.wait()
    pend_o.wait()


def _sc_gather_body(h2s_hbm, dest_hbm, aos_hbm, idx_v, rows_v, sem0, sem1):
    wid = lax.axis_index("s") * _NC + lax.axis_index("c")
    base = wid * _PW
    sems = (sem0, sem1)
    pend = []
    for c in range(_PW // _GCH):
        cb = base + c * _GCH
        pltpu.sync_copy(dest_hbm.at[pl.ds(cb, _GCH)], idx_v.at[c])
        pend.append((pltpu.async_copy(h2s_hbm.at[idx_v.at[c]], rows_v.at[c],
                                      sems[c]), c, cb))
    for desc, c, cb in pend:
        desc.wait()
        pltpu.sync_copy(rows_v.at[c], aos_hbm.at[pl.ds(cb, _GCH)])


@functools.lru_cache(maxsize=None)
def _sc_kernels():
    mesh = plsc.VectorSubcoreMesh(core_axis_name="c", subcore_axis_name="s")
    scatter = pl.kernel(
        _sc_scatter_body,
        out_type=(
            jax.ShapeDtypeStruct((P, D), jnp.float32),
            jax.ShapeDtypeStruct((P, D), jnp.float32),
        ),
        mesh=mesh,
        scratch_types=[
            pltpu.VMEM((_SNC, _SCH), jnp.int32),
            pltpu.VMEM((_SCH, D), jnp.float32),
            pltpu.VMEM((_SCH, D), jnp.float32),
            pltpu.SemaphoreType.DMA,
            pltpu.SemaphoreType.DMA,
        ],
    )
    gather = pl.kernel(
        _sc_gather_body,
        out_type=jax.ShapeDtypeStruct((T, H2 // 2), jnp.int32),
        mesh=mesh,
        scratch_types=[
            pltpu.VMEM((2, _GCH), jnp.int32),
            pltpu.VMEM((2, _GCH, H2 // 2), jnp.int32),
            pltpu.SemaphoreType.DMA,
            pltpu.SemaphoreType.DMA,
        ],
    )
    return scatter, gather


def kernel(u_emb, i_emb, a_emb, o_emb, s,
           mlp_ao_W1, mlp_ao_b1, mlp_ao_W2, mlp_ao_b2,
           mlp_ui_W1, mlp_ui_b1, mlp_ui_W2, mlp_ui_b2):
    bf = jnp.bfloat16
    w1u = mlp_ui_W1[:D].astype(bf)
    w1i = mlp_ui_W1[D:].astype(bf)
    w2ui = mlp_ui_W2.astype(bf)
    b1ui = mlp_ui_b1.reshape(1, H1)
    b2ui = mlp_ui_b2.reshape(1, H2)
    w1a = mlp_ao_W1[:, :D, :].astype(bf)
    w1o = mlp_ao_W1[:, D:, :].astype(bf)
    w2ao = mlp_ao_W2.astype(bf)
    b1ao = mlp_ao_b1
    b2ao = mlp_ao_b2

    s2d = s.reshape(NBLK, BLK)
    a2 = a_emb.reshape(T, D)
    o2 = o_emb.reshape(T, D)

    dest2d, texp = pl.pallas_call(
        _route_body,
        out_shape=(
            jax.ShapeDtypeStruct((NBLK, BLK), jnp.int32),
            jax.ShapeDtypeStruct((1, 128), jnp.int32),
        ),
    )(s2d)

    sc_scatter, sc_gather = _sc_kernels()
    dest = dest2d.reshape(T)
    xa, xo = sc_scatter(a2, o2, dest)

    h2s = pl.pallas_call(
        _group_body,
        grid_spec=pltpu.PrefetchScalarGridSpec(
            num_scalar_prefetch=1,
            grid=(NT,),
            in_specs=[
                pl.BlockSpec((MT, D), lambda t, texp: (t, 0)),
                pl.BlockSpec((MT, D), lambda t, texp: (t, 0)),
                pl.BlockSpec((R, D, H1), lambda t, texp: (0, 0, 0)),
                pl.BlockSpec((R, D, H1), lambda t, texp: (0, 0, 0)),
                pl.BlockSpec((R, H1), lambda t, texp: (0, 0)),
                pl.BlockSpec((R, H1, H2), lambda t, texp: (0, 0, 0)),
                pl.BlockSpec((R, H2), lambda t, texp: (0, 0)),
            ],
            out_specs=pl.BlockSpec((MT, H2 // 2), lambda t, texp: (t, 0)),
        ),
        out_shape=jax.ShapeDtypeStruct((P, H2 // 2), jnp.int32),
    )(texp[0, :NT], xa, xo, w1a, w1o, b1ao, w2ao, b2ao)

    aos = sc_gather(h2s, dest)

    pred = pl.pallas_call(
        _uidot_body,
        out_shape=jax.ShapeDtypeStruct((B, N), jnp.float32),
    )(u_emb, i_emb, w1u, w1i, b1ui, w2ui, b2ui, aos)
    return pred

# --- scband reference (transcript-rebuilt; emitter-appended) ---
"""Pipeline reference for scband-model-53283364274775 (READ-ONLY COPY).

The authoritative reference and input builder live on the scoring server;
editing this copy changes nothing except your own understanding.
"""

import jax, jax.numpy as jnp
import numpy as np

B, N, D, H1, H2, R = 1024, 8, 512, 512, 256, 8


def _leaky(x):
    return jnp.where(x >= 0, x, 0.01 * x)


def setup_inputs(seed: int = 0):
    key = jax.random.key(seed)
    ks = jax.random.split(key, 13)
    u_emb = jax.random.normal(ks[0], (B, D), dtype=jnp.float32)
    i_emb = jax.random.normal(ks[1], (B, D), dtype=jnp.float32)
    a_emb = jax.random.normal(ks[2], (B, N, D), dtype=jnp.float32)
    o_emb = jax.random.normal(ks[3], (B, N, D), dtype=jnp.float32)
    s = jax.random.randint(ks[4], (B, N), 0, R, dtype=jnp.int32)
    d_in = 2 * D
    mlp_ao_W1 = jax.random.normal(ks[5], (R, d_in, H1), dtype=jnp.float32) / np.sqrt(d_in)
    mlp_ao_b1 = jnp.zeros((R, H1), dtype=jnp.float32)
    mlp_ao_W2 = jax.random.normal(ks[6], (R, H1, H2), dtype=jnp.float32) / np.sqrt(H1)
    mlp_ao_b2 = jnp.zeros((R, H2), dtype=jnp.float32)
    mlp_ui_W1 = jax.random.normal(ks[7], (d_in, H1), dtype=jnp.float32) / np.sqrt(d_in)
    mlp_ui_b1 = jnp.zeros((H1,), dtype=jnp.float32)
    mlp_ui_W2 = jax.random.normal(ks[8], (H1, H2), dtype=jnp.float32) / np.sqrt(H1)
    mlp_ui_b2 = jnp.zeros((H2,), dtype=jnp.float32)
    return {
        'u_emb': u_emb, 'i_emb': i_emb, 'a_emb': a_emb, 'o_emb': o_emb, 's': s,
        'mlp_ao_W1': mlp_ao_W1, 'mlp_ao_b1': mlp_ao_b1,
        'mlp_ao_W2': mlp_ao_W2, 'mlp_ao_b2': mlp_ao_b2,
        'mlp_ui_W1': mlp_ui_W1, 'mlp_ui_b1': mlp_ui_b1,
        'mlp_ui_W2': mlp_ui_W2, 'mlp_ui_b2': mlp_ui_b2,
    }


def reference(u_emb, i_emb, a_emb, o_emb, s,
              mlp_ao_W1, mlp_ao_b1, mlp_ao_W2, mlp_ao_b2,
              mlp_ui_W1, mlp_ui_b1, mlp_ui_W2, mlp_ui_b2):
    # ui path: shared MLP
    ui_in = jnp.concatenate([u_emb, i_emb], axis=-1)              # [B, 2D]
    ao_in = jnp.concatenate([a_emb, o_emb], axis=-1)              # [B, N, 2D]
    b = ao_in.shape[0]
    n = ao_in.shape[1]
    s = s.reshape(b, n)
    ui_h = _leaky(ui_in @ mlp_ui_W1 + mlp_ui_b1)
    ui_emb = _leaky(ui_h @ mlp_ui_W2 + mlp_ui_b2)                 # [B, H2]
    # ao path: routed per-relation experts (MoE routing on sentiment id s)
    aos_emb = jnp.zeros((b, n, H2), dtype=ao_in.dtype)
    for r in range(R):
        h = _leaky(ao_in @ mlp_ao_W1[r] + mlp_ao_b1[r])
        h = _leaky(h @ mlp_ao_W2[r] + mlp_ao_b2[r])               # [B, N, H2]
        aos_emb = jnp.where((s == r)[..., None], h, aos_emb)
    # bpr-style score
    pred = (ui_emb[:, None, :] * aos_emb).sum(-1)                 # [B, N]
    return pred

if __name__ == "__main__":
    import jax
    _d = setup_inputs()
    print(jax.jit(kernel)(*tuple(_d.values())))

</pallas_src>

<mosaic_0001>
#map = affine_map<(d0, d1) -> (0, 0)>
#map1 = affine_map<(d0, d1) -> (0)>
module attributes {stable_mosaic.version = 14 : i64} {
  func.func @_sc_gather_body(%arg0: i32, %arg1: i32, %arg2: memref<12288x128xi32, #tpu.memory_space<hbm>>, %arg3: memref<8192xi32, #tpu.memory_space<hbm>>, %arg4: memref<8192x128xi32, #tpu.memory_space<hbm>>, %arg5: memref<2x128xi32, #tpu.memory_space<vmem>>, %arg6: memref<2x128x128xi32, #tpu.memory_space<vmem>>, %arg7: memref<!tpu.dma_semaphore, #tpu.memory_space<semaphore_mem>>, %arg8: memref<!tpu.dma_semaphore, #tpu.memory_space<semaphore_mem>>) attributes {dimension_semantics = [#tpu.dimension_semantics<core_parallel>, #tpu.dimension_semantics<subcore_parallel>], iteration_bounds = array<i64: 2, 16>, scalar_prefetch = 0 : i64, scratch_operands = 4 : i64, tpu.core_type = #tpu.core_type<sc_vector_subcore>, window_params = [{transform_indices = #map}, {transform_indices = #map1}, {transform_indices = #map}]} {
    %mul3A = arith.constant 2 : i32
    %mul3A_0 = arith.muli %arg1, %mul3A : i32
    %add3A = arith.addi %mul3A_0, %arg0 : i32
    %mul3A_1 = arith.constant 256 : i32
    %mul3A_2 = arith.muli %add3A, %mul3A_1 : i32
    %add3A_3 = arith.constant 0 : i32
    %add3A_4 = arith.addi %mul3A_2, %add3A_3 : i32
    %run_scoped3A = arith.constant 0 : i32
    "tpu.region"() ({
      %run_scoped3A_56 = tpu.sem_alloc : memref<!tpu.dma_semaphore, #tpu.memory_space<semaphore_mem>>
      %dma_start3A_57 = arith.constant 0 : i32
      %dma_start3A_58 = tpu.memref_slice %arg5[%run_scoped3A, %dma_start3A_57] : memref<2x128xi32, #tpu.memory_space<vmem>> -> memref<1x128xi32, #tpu.memory_space<vmem>>
      %dma_start3A_59 = tpu.memref_squeeze %dma_start3A_58 : memref<1x128xi32, #tpu.memory_space<vmem>> -> memref<128xi32, #tpu.memory_space<vmem>>
      %dma_start3A_60 = tpu.memref_slice %arg3[%add3A_4] : memref<8192xi32, #tpu.memory_space<hbm>> -> memref<128xi32, #tpu.memory_space<hbm>>
      %dma_start3A_61 = arith.constant 0 : i32
      %dma_start3A_62 = tpu.memref_slice %arg5[%run_scoped3A, %dma_start3A_61] : memref<2x128xi32, #tpu.memory_space<vmem>> -> memref<1x128xi32, #tpu.memory_space<vmem>>
      %dma_start3A_63 = tpu.memref_squeeze %dma_start3A_62 : memref<1x128xi32, #tpu.memory_space<vmem>> -> memref<128xi32, #tpu.memory_space<vmem>>
      %dma_start3A_64 = tpu.memref_slice %arg3[%add3A_4] : memref<8192xi32, #tpu.memory_space<hbm>> -> memref<128xi32, #tpu.memory_space<hbm>>
      tpu.enqueue_dma source(%dma_start3A_64 : memref<128xi32, #tpu.memory_space<hbm>>) target(%dma_start3A_63 : memref<128xi32, #tpu.memory_space<vmem>>) target_semaphore(%run_scoped3A_56 : memref<!tpu.dma_semaphore, #tpu.memory_space<semaphore_mem>>)
      %dma_wait3A_65 = arith.constant 0 : i32
      %dma_wait3A_66 = tpu.memref_slice %arg5[%run_scoped3A, %dma_wait3A_65] : memref<2x128xi32, #tpu.memory_space<vmem>> -> memref<1x128xi32, #tpu.memory_space<vmem>>
      %dma_wait3A_67 = tpu.memref_squeeze %dma_wait3A_66 : memref<1x128xi32, #tpu.memory_space<vmem>> -> memref<128xi32, #tpu.memory_space<vmem>>
      %dma_wait3A_68 = tpu.memref_slice %arg3[%add3A_4] : memref<8192xi32, #tpu.memory_space<hbm>> -> memref<128xi32, #tpu.memory_space<hbm>>
      %dma_wait3A_69 = arith.constant 0 : i32
      %dma_wait3A_70 = tpu.memref_slice %arg5[%run_scoped3A, %dma_wait3A_69] : memref<2x128xi32, #tpu.memory_space<vmem>> -> memref<1x128xi32, #tpu.memory_space<vmem>>
      %dma_wait3A_71 = tpu.memref_squeeze %dma_wait3A_70 : memref<1x128xi32, #tpu.memory_space<vmem>> -> memref<128xi32, #tpu.memory_space<vmem>>
      %dma_wait3A_72 = tpu.memref_slice %arg3[%add3A_4] : memref<8192xi32, #tpu.memory_space<hbm>> -> memref<128xi32, #tpu.memory_space<hbm>>
      tpu.wait_dma2 semaphore(%run_scoped3A_56 : memref<!tpu.dma_semaphore, #tpu.memory_space<semaphore_mem>>) src(%dma_wait3A_72 : memref<128xi32, #tpu.memory_space<hbm>>) dst(%dma_wait3A_71 : memref<128xi32, #tpu.memory_space<vmem>>)
      tpu.yield
    }) : () -> ()
    %dma_start3A = arith.constant 0 : i32
    %dma_start3A_5 = arith.constant 0 : i32
    %dma_start3A_6 = arith.constant 0 : i32
    %dma_start3A_7 = arith.constant 0 : i32
    %dma_start3A_8 = tpu.memref_slice %arg6[%dma_start3A_5, %dma_start3A_6, %dma_start3A_7] : memref<2x128x128xi32, #tpu.memory_space<vmem>> -> memref<1x128x128xi32, #tpu.memory_space<vmem>>
    %dma_start3A_9 = tpu.memref_squeeze %dma_start3A_8 : memref<1x128x128xi32, #tpu.memory_space<vmem>> -> memref<128x128xi32, #tpu.memory_space<vmem>>
    %dma_start3A_10 = arith.constant 0 : i32
    %dma_start3A_11 = tpu.memref_slice %arg5[%dma_start3A, %dma_start3A_10] : memref<2x128xi32, #tpu.memory_space<vmem>> -> memref<1x128xi32, #tpu.memory_space<vmem>>
    %dma_start3A_12 = tpu.memref_squeeze %dma_start3A_11 : memref<1x128xi32, #tpu.memory_space<vmem>> -> memref<128xi32, #tpu.memory_space<vmem>>
    %dma_start3A_13 = arith.constant 0 : i32
    %dma_start3A_14 = arith.constant 0 : i32
    %dma_start3A_15 = tpu.memref_slice %arg2[%dma_start3A_13, %dma_start3A_14] : memref<12288x128xi32, #tpu.memory_space<hbm>> -> memref<12288x128xi32, #tpu.memory_space<hbm>>
    tpu.enqueue_indirect_dma source(%dma_start3A_15 : memref<12288x128xi32, #tpu.memory_space<hbm>>) target(%dma_start3A_9 : memref<128x128xi32, #tpu.memory_space<vmem>>) offsets(%dma_start3A_12 : memref<128xi32, #tpu.memory_space<vmem>>) semaphore(%arg7 : memref<!tpu.dma_semaphore, #tpu.memory_space<semaphore_mem>>)
    %add3A_16 = arith.constant 128 : i32
    %add3A_17 = arith.addi %mul3A_2, %add3A_16 : i32
    %run_scoped3A_18 = arith.constant 1 : i32
    "tpu.region"() ({
      %run_scoped3A_56 = tpu.sem_alloc : memref<!tpu.dma_semaphore, #tpu.memory_space<semaphore_mem>>
      %dma_start3A_57 = arith.constant 0 : i32
      %dma_start3A_58 = tpu.memref_slice %arg5[%run_scoped3A_18, %dma_start3A_57] : memref<2x128xi32, #tpu.memory_space<vmem>> -> memref<1x128xi32, #tpu.memory_space<vmem>>
      %dma_start3A_59 = tpu.memref_squeeze %dma_start3A_58 : memref<1x128xi32, #tpu.memory_space<vmem>> -> memref<128xi32, #tpu.memory_space<vmem>>
      %dma_start3A_60 = tpu.memref_slice %arg3[%add3A_17] : memref<8192xi32, #tpu.memory_space<hbm>> -> memref<128xi32, #tpu.memory_space<hbm>>
      %dma_start3A_61 = arith.constant 0 : i32
      %dma_start3A_62 = tpu.memref_slice %arg5[%run_scoped3A_18, %dma_start3A_61] : memref<2x128xi32, #tpu.memory_space<vmem>> -> memref<1x128xi32, #tpu.memory_space<vmem>>
      %dma_start3A_63 = tpu.memref_squeeze %dma_start3A_62 : memref<1x128xi32, #tpu.memory_space<vmem>> -> memref<128xi32, #tpu.memory_space<vmem>>
      %dma_start3A_64 = tpu.memref_slice %arg3[%add3A_17] : memref<8192xi32, #tpu.memory_space<hbm>> -> memref<128xi32, #tpu.memory_space<hbm>>
      tpu.enqueue_dma source(%dma_start3A_64 : memref<128xi32, #tpu.memory_space<hbm>>) target(%dma_start3A_63 : memref<128xi32, #tpu.memory_space<vmem>>) target_semaphore(%run_scoped3A_56 : memref<!tpu.dma_semaphore, #tpu.memory_space<semaphore_mem>>)
      %dma_wait3A_65 = arith.constant 0 : i32
      %dma_wait3A_66 = tpu.memref_slice %arg5[%run_scoped3A_18, %dma_wait3A_65] : memref<2x128xi32, #tpu.memory_space<vmem>> -> memref<1x128xi32, #tpu.memory_space<vmem>>
      %dma_wait3A_67 = tpu.memref_squeeze %dma_wait3A_66 : memref<1x128xi32, #tpu.memory_space<vmem>> -> memref<128xi32, #tpu.memory_space<vmem>>
      %dma_wait3A_68 = tpu.memref_slice %arg3[%add3A_17] : memref<8192xi32, #tpu.memory_space<hbm>> -> memref<128xi32, #tpu.memory_space<hbm>>
      %dma_wait3A_69 = arith.constant 0 : i32
      %dma_wait3A_70 = tpu.memref_slice %arg5[%run_scoped3A_18, %dma_wait3A_69] : memref<2x128xi32, #tpu.memory_space<vmem>> -> memref<1x128xi32, #tpu.memory_space<vmem>>
      %dma_wait3A_71 = tpu.memref_squeeze %dma_wait3A_70 : memref<1x128xi32, #tpu.memory_space<vmem>> -> memref<128xi32, #tpu.memory_space<vmem>>
      %dma_wait3A_72 = tpu.memref_slice %arg3[%add3A_17] : memref<8192xi32, #tpu.memory_space<hbm>> -> memref<128xi32, #tpu.memory_space<hbm>>
      tpu.wait_dma2 semaphore(%run_scoped3A_56 : memref<!tpu.dma_semaphore, #tpu.memory_space<semaphore_mem>>) src(%dma_wait3A_72 : memref<128xi32, #tpu.memory_space<hbm>>) dst(%dma_wait3A_71 : memref<128xi32, #tpu.memory_space<vmem>>)
      tpu.yield
    }) : () -> ()
    %dma_start3A_19 = arith.constant 1 : i32
    %dma_start3A_20 = arith.constant 1 : i32
    %dma_start3A_21 = arith.constant 0 : i32
    %dma_start3A_22 = arith.constant 0 : i32
    %dma_start3A_23 = tpu.memref_slice %arg6[%dma_start3A_20, %dma_start3A_21, %dma_start3A_22] : memref<2x128x128xi32, #tpu.memory_space<vmem>> -> memref<1x128x128xi32, #tpu.memory_space<vmem>>
    %dma_start3A_24 = tpu.memref_squeeze %dma_start3A_23 : memref<1x128x128xi32, #tpu.memory_space<vmem>> -> memref<128x128xi32, #tpu.memory_space<vmem>>
    %dma_start3A_25 = arith.constant 0 : i32
    %dma_start3A_26 = tpu.memref_slice %arg5[%dma_start3A_19, %dma_start3A_25] : memref<2x128xi32, #tpu.memory_space<vmem>> -> memref<1x128xi32, #tpu.memory_space<vmem>>
    %dma_start3A_27 = tpu.memref_squeeze %dma_start3A_26 : memref<1x128xi32, #tpu.memory_space<vmem>> -> memref<128xi32, #tpu.memory_space<vmem>>
    %dma_start3A_28 = arith.constant 0 : i32
    %dma_start3A_29 = arith.constant 0 : i32
    %dma_start3A_30 = tpu.memref_slice %arg2[%dma_start3A_28, %dma_start3A_29] : memref<12288x128xi32, #tpu.memory_space<hbm>> -> memref<12288x128xi32, #tpu.memory_space<hbm>>
    tpu.enqueue_indirect_dma source(%dma_start3A_30 : memref<12288x128xi32, #tpu.memory_space<hbm>>) target(%dma_start3A_24 : memref<128x128xi32, #tpu.memory_space<vmem>>) offsets(%dma_start3A_27 : memref<128xi32, #tpu.memory_space<vmem>>) semaphore(%arg8 : memref<!tpu.dma_semaphore, #tpu.memory_space<semaphore_mem>>)
    %dma_wait3A = arith.constant 0 : i32
    %dma_wait3A_31 = arith.constant 0 : i32
    %dma_wait3A_32 = arith.constant 0 : i32
    %dma_wait3A_33 = arith.constant 0 : i32
    %dma_wait3A_34 = tpu.memref_slice %arg6[%dma_wait3A_31, %dma_wait3A_32, %dma_wait3A_33] : memref<2x128x128xi32, #tpu.memory_space<vmem>> -> memref<1x128x128xi32, #tpu.memory_space<vmem>>
    %dma_wait3A_35 = tpu.memref_squeeze %dma_wait3A_34 : memref<1x128x128xi32, #tpu.memory_space<vmem>> -> memref<128x128xi32, #tpu.memory_space<vmem>>
    %dma_wait3A_36 = arith.constant 0 : i32
    %dma_wait3A_37 = tpu.memref_slice %arg5[%dma_wait3A, %dma_wait3A_36] : memref<2x128xi32, #tpu.memory_space<vmem>> -> memref<1x128xi32, #tpu.memory_space<vmem>>
    %dma_wait3A_38 = tpu.memref_squeeze %dma_wait3A_37 : memref<1x128xi32, #tpu.memory_space<vmem>> -> memref<128xi32, #tpu.memory_space<vmem>>
    %dma_wait3A_39 = arith.constant 0 : i32
    %dma_wait3A_40 = arith.constant 0 : i32
    %dma_wait3A_41 = tpu.memref_slice %arg2[%dma_wait3A_39, %dma_wait3A_40] : memref<12288x128xi32, #tpu.memory_space<hbm>> -> memref<12288x128xi32, #tpu.memory_space<hbm>>
    tpu.wait_indirect_dma semaphore(%arg7 : memref<!tpu.dma_semaphore, #tpu.memory_space<semaphore_mem>>) src(%dma_wait3A_41 : memref<12288x128xi32, #tpu.memory_space<hbm>>) dst(%dma_wait3A_35 : memref<128x128xi32, #tpu.memory_space<vmem>>)
    %run_scoped3A_42 = arith.constant 0 : i32
    "tpu.region"() ({
      %run_scoped3A_56 = tpu.sem_alloc : memref<!tpu.dma_semaphore, #tpu.memory_space<semaphore_mem>>
      %dma_start3A_57 = arith.constant 0 : i32
      %dma_start3A_58 = arith.constant 0 : i32
      %dma_start3A_59 = tpu.memref_slice %arg6[%run_scoped3A_42, %dma_start3A_57, %dma_start3A_58] : memref<2x128x128xi32, #tpu.memory_space<vmem>> -> memref<1x128x128xi32, #tpu.memory_space<vmem>>
      %dma_start3A_60 = tpu.memref_squeeze %dma_start3A_59 : memref<1x128x128xi32, #tpu.memory_space<vmem>> -> memref<128x128xi32, #tpu.memory_space<vmem>>
      %dma_start3A_61 = arith.constant 0 : i32
      %dma_start3A_62 = tpu.memref_slice %arg4[%add3A_4, %dma_start3A_61] : memref<8192x128xi32, #tpu.memory_space<hbm>> -> memref<128x128xi32, #tpu.memory_space<hbm>>
      %dma_start3A_63 = arith.constant 0 : i32
      %dma_start3A_64 = tpu.memref_slice %arg4[%add3A_4, %dma_start3A_63] : memref<8192x128xi32, #tpu.memory_space<hbm>> -> memref<128x128xi32, #tpu.memory_space<hbm>>
      %dma_start3A_65 = arith.constant 0 : i32
      %dma_start3A_66 = arith.constant 0 : i32
      %dma_start3A_67 = tpu.memref_slice %arg6[%run_scoped3A_42, %dma_start3A_65, %dma_start3A_66] : memref<2x128x128xi32, #tpu.memory_space<vmem>> -> memref<1x128x128xi32, #tpu.memory_space<vmem>>
      %dma_start3A_68 = tpu.memref_squeeze %dma_start3A_67 : memref<1x128x128xi32, #tpu.memory_space<vmem>> -> memref<128x128xi32, #tpu.memory_space<vmem>>
      tpu.enqueue_dma source(%dma_start3A_68 : memref<128x128xi32, #tpu.memory_space<vmem>>) target(%dma_start3A_64 : memref<128x128xi32, #tpu.memory_space<hbm>>) target_semaphore(%run_scoped3A_56 : memref<!tpu.dma_semaphore, #tpu.memory_space<semaphore_mem>>)
      %dma_wait3A_69 = arith.constant 0 : i32
      %dma_wait3A_70 = arith.constant 0 : i32
      %dma_wait3A_71 = tpu.memref_slice %arg6[%run_scoped3A_42, %dma_wait3A_69, %dma_wait3A_70] : memref<2x128x128xi32, #tpu.memory_space<vmem>> -> memref<1x128x128xi32, #tpu.memory_space<vmem>>
      %dma_wait3A_72 = tpu.memref_squeeze %dma_wait3A_71 : memref<1x128x128xi32, #tpu.memory_space<vmem>> -> memref<128x128xi32, #tpu.memory_space<vmem>>
      %dma_wait3A_73 = arith.constant 0 : i32
      %dma_wait3A_74 = tpu.memref_slice %arg4[%add3A_4, %dma_wait3A_73] : memref<8192x128xi32, #tpu.memory_space<hbm>> -> memref<128x128xi32, #tpu.memory_space<hbm>>
      %dma_wait3A_75 = arith.constant 0 : i32
      %dma_wait3A_76 = tpu.memref_slice %arg4[%add3A_4, %dma_wait3A_75] : memref<8192x128xi32, #tpu.memory_space<hbm>> -> memref<128x128xi32, #tpu.memory_space<hbm>>
      %dma_wait3A_77 = arith.constant 0 : i32
      %dma_wait3A_78 = arith.constant 0 : i32
      %dma_wait3A_79 = tpu.memref_slice %arg6[%run_scoped3A_42, %dma_wait3A_77, %dma_wait3A_78] : memref<2x128x128xi32, #tpu.memory_space<vmem>> -> memref<1x128x128xi32, #tpu.memory_space<vmem>>
      %dma_wait3A_80 = tpu.memref_squeeze %dma_wait3A_79 : memref<1x128x128xi32, #tpu.memory_space<vmem>> -> memref<128x128xi32, #tpu.memory_space<vmem>>
      tpu.wait_dma2 semaphore(%run_scoped3A_56 : memref<!tpu.dma_semaphore, #tpu.memory_space<semaphore_mem>>) src(%dma_wait3A_80 : memref<128x128xi32, #tpu.memory_space<vmem>>) dst(%dma_wait3A_76 : memref<128x128xi32, #tpu.memory_space<hbm>>)
      tpu.yield
    }) : () -> ()
    %dma_wait3A_43 = arith.constant 1 : i32
    %dma_wait3A_44 = arith.constant 1 : i32
    %dma_wait3A_45 = arith.constant 0 : i32
    %dma_wait3A_46 = arith.constant 0 : i32
    %dma_wait3A_47 = tpu.memref_slice %arg6[%dma_wait3A_44, %dma_wait3A_45, %dma_wait3A_46] : memref<2x128x128xi32, #tpu.memory_space<vmem>> -> memref<1x128x128xi32, #tpu.memory_space<vmem>>
    %dma_wait3A_48 = tpu.memref_squeeze %dma_wait3A_47 : memref<1x128x128xi32, #tpu.memory_space<vmem>> -> memref<128x128xi32, #tpu.memory_space<vmem>>
    %dma_wait3A_49 = arith.constant 0 : i32
    %dma_wait3A_50 = tpu.memref_slice %arg5[%dma_wait3A_43, %dma_wait3A_49] : memref<2x128xi32, #tpu.memory_space<vmem>> -> memref<1x128xi32, #tpu.memory_space<vmem>>
    %dma_wait3A_51 = tpu.memref_squeeze %dma_wait3A_50 : memref<1x128xi32, #tpu.memory_space<vmem>> -> memref<128xi32, #tpu.memory_space<vmem>>
    %dma_wait3A_52 = arith.constant 0 : i32
    %dma_wait3A_53 = arith.constant 0 : i32
    %dma_wait3A_54 = tpu.memref_slice %arg2[%dma_wait3A_52, %dma_wait3A_53] : memref<12288x128xi32, #tpu.memory_space<hbm>> -> memref<12288x128xi32, #tpu.memory_space<hbm>>
    tpu.wait_indirect_dma semaphore(%arg8 : memref<!tpu.dma_semaphore, #tpu.memory_space<semaphore_mem>>) src(%dma_wait3A_54 : memref<12288x128xi32, #tpu.memory_space<hbm>>) dst(%dma_wait3A_48 : memref<128x128xi32, #tpu.memory_space<vmem>>)
    %run_scoped3A_55 = arith.constant 1 : i32
    "tpu.region"() ({
      %run_scoped3A_56 = tpu.sem_alloc : memref<!tpu.dma_semaphore, #tpu.memory_space<semaphore_mem>>
      %dma_start3A_57 = arith.constant 0 : i32
      %dma_start3A_58 = arith.constant 0 : i32
      %dma_start3A_59 = tpu.memref_slice %arg6[%run_scoped3A_55, %dma_start3A_57, %dma_start3A_58] : memref<2x128x128xi32, #tpu.memory_space<vmem>> -> memref<1x128x128xi32, #tpu.memory_space<vmem>>
      %dma_start3A_60 = tpu.memref_squeeze %dma_start3A_59 : memref<1x128x128xi32, #tpu.memory_space<vmem>> -> memref<128x128xi32, #tpu.memory_space<vmem>>
      %dma_start3A_61 = arith.constant 0 : i32
      %dma_start3A_62 = tpu.memref_slice %arg4[%add3A_17, %dma_start3A_61] : memref<8192x128xi32, #tpu.memory_space<hbm>> -> memref<128x128xi32, #tpu.memory_space<hbm>>
      %dma_start3A_63 = arith.constant 0 : i32
      %dma_start3A_64 = tpu.memref_slice %arg4[%add3A_17, %dma_start3A_63] : memref<8192x128xi32, #tpu.memory_space<hbm>> -> memref<128x128xi32, #tpu.memory_space<hbm>>
      %dma_start3A_65 = arith.constant 0 : i32
      %dma_start3A_66 = arith.constant 0 : i32
      %dma_start3A_67 = tpu.memref_slice %arg6[%run_scoped3A_55, %dma_start3A_65, %dma_start3A_66] : memref<2x128x128xi32, #tpu.memory_space<vmem>> -> memref<1x128x128xi32, #tpu.memory_space<vmem>>
      %dma_start3A_68 = tpu.memref_squeeze %dma_start3A_67 : memref<1x128x128xi32, #tpu.memory_space<vmem>> -> memref<128x128xi32, #tpu.memory_space<vmem>>
      tpu.enqueue_dma source(%dma_start3A_68 : memref<128x128xi32, #tpu.memory_space<vmem>>) target(%dma_start3A_64 : memref<128x128xi32, #tpu.memory_space<hbm>>) target_semaphore(%run_scoped3A_56 : memref<!tpu.dma_semaphore, #tpu.memory_space<semaphore_mem>>)
      %dma_wait3A_69 = arith.constant 0 : i32
      %dma_wait3A_70 = arith.constant 0 : i32
      %dma_wait3A_71 = tpu.memref_slice %arg6[%run_scoped3A_55, %dma_wait3A_69, %dma_wait3A_70] : memref<2x128x128xi32, #tpu.memory_space<vmem>> -> memref<1x128x128xi32, #tpu.memory_space<vmem>>
      %dma_wait3A_72 = tpu.memref_squeeze %dma_wait3A_71 : memref<1x128x128xi32, #tpu.memory_space<vmem>> -> memref<128x128xi32, #tpu.memory_space<vmem>>
      %dma_wait3A_73 = arith.constant 0 : i32
      %dma_wait3A_74 = tpu.memref_slice %arg4[%add3A_17, %dma_wait3A_73] : memref<8192x128xi32, #tpu.memory_space<hbm>> -> memref<128x128xi32, #tpu.memory_space<hbm>>
      %dma_wait3A_75 = arith.constant 0 : i32
      %dma_wait3A_76 = tpu.memref_slice %arg4[%add3A_17, %dma_wait3A_75] : memref<8192x128xi32, #tpu.memory_space<hbm>> -> memref<128x128xi32, #tpu.memory_space<hbm>>
      %dma_wait3A_77 = arith.constant 0 : i32
      %dma_wait3A_78 = arith.constant 0 : i32
      %dma_wait3A_79 = tpu.memref_slice %arg6[%run_scoped3A_55, %dma_wait3A_77, %dma_wait3A_78] : memref<2x128x128xi32, #tpu.memory_space<vmem>> -> memref<1x128x128xi32, #tpu.memory_space<vmem>>
      %dma_wait3A_80 = tpu.memref_squeeze %dma_wait3A_79 : memref<1x128x128xi32, #tpu.memory_space<vmem>> -> memref<128x128xi32, #tpu.memory_space<vmem>>
      tpu.wait_dma2 semaphore(%run_scoped3A_56 : memref<!tpu.dma_semaphore, #tpu.memory_space<semaphore_mem>>) src(%dma_wait3A_80 : memref<128x128xi32, #tpu.memory_space<vmem>>) dst(%dma_wait3A_76 : memref<128x128xi32, #tpu.memory_space<hbm>>)
      tpu.yield
    }) : () -> ()
    return
  }
}

#map = affine_map<(d0, d1) -> (0, 0)>
#map1 = affine_map<(d0, d1) -> (0)>
module attributes {stable_mosaic.version = 14 : i64} {
  func.func @_sc_scatter_body(%arg0: i32, %arg1: i32, %arg2: memref<8192x512xf32, #tpu.memory_space<hbm>>, %arg3: memref<8192x512xf32, #tpu.memory_space<hbm>>, %arg4: memref<8192xi32, #tpu.memory_space<hbm>>, %arg5: memref<12288x512xf32, #tpu.memory_space<hbm>>, %arg6: memref<12288x512xf32, #tpu.memory_space<hbm>>, %arg7: memref<4x64xi32, #tpu.memory_space<vmem>>, %arg8: memref<64x512xf32, #tpu.memory_space<vmem>>, %arg9: memref<64x512xf32, #tpu.memory_space<vmem>>, %arg10: memref<!tpu.dma_semaphore, #tpu.memory_space<semaphore_mem>>, %arg11: memref<!tpu.dma_semaphore, #tpu.memory_space<semaphore_mem>>) attributes {dimension_semantics = [#tpu.dimension_semantics<core_parallel>, #tpu.dimension_semantics<subcore_parallel>], iteration_bounds = array<i64: 2, 16>, scalar_prefetch = 0 : i64, scratch_operands = 5 : i64, tpu.core_type = #tpu.core_type<sc_vector_subcore>, window_params = [{transform_indices = #map}, {transform_indices = #map}, {transform_indices = #map1}, {transform_indices = #map}, {transform_indices = #map}]} {
    %mul3A = arith.constant 2 : i32
    %mul3A_0 = arith.muli %arg1, %mul3A : i32
    %add3A = arith.addi %mul3A_0, %arg0 : i32
    %mul3A_1 = arith.constant 256 : i32
    %mul3A_2 = arith.muli %add3A, %mul3A_1 : i32
    %add3A_3 = arith.constant 0 : i32
    %add3A_4 = arith.addi %mul3A_2, %add3A_3 : i32
    %run_scoped3A = arith.constant 0 : i32
    "tpu.region"() ({
      %run_scoped3A_124 = tpu.sem_alloc : memref<!tpu.dma_semaphore, #tpu.memory_space<semaphore_mem>>
      %dma_start3A_125 = arith.constant 0 : i32
      %dma_start3A_126 = tpu.memref_slice %arg7[%run_scoped3A, %dma_start3A_125] : memref<4x64xi32, #tpu.memory_space<vmem>> -> memref<1x64xi32, #tpu.memory_space<vmem>>
      %dma_start3A_127 = tpu.memref_squeeze %dma_start3A_126 : memref<1x64xi32, #tpu.memory_space<vmem>> -> memref<64xi32, #tpu.memory_space<vmem>>
      %dma_start3A_128 = tpu.memref_slice %arg4[%add3A_4] : memref<8192xi32, #tpu.memory_space<hbm>> -> memref<64xi32, #tpu.memory_space<hbm>>
      %dma_start3A_129 = arith.constant 0 : i32
      %dma_start3A_130 = tpu.memref_slice %arg7[%run_scoped3A, %dma_start3A_129] : memref<4x64xi32, #tpu.memory_space<vmem>> -> memref<1x64xi32, #tpu.memory_space<vmem>>
      %dma_start3A_131 = tpu.memref_squeeze %dma_start3A_130 : memref<1x64xi32, #tpu.memory_space<vmem>> -> memref<64xi32, #tpu.memory_space<vmem>>
      %dma_start3A_132 = tpu.memref_slice %arg4[%add3A_4] : memref<8192xi32, #tpu.memory_space<hbm>> -> memref<64xi32, #tpu.memory_space<hbm>>
      tpu.enqueue_dma source(%dma_start3A_132 : memref<64xi32, #tpu.memory_space<hbm>>) target(%dma_start3A_131 : memref<64xi32, #tpu.memory_space<vmem>>) target_semaphore(%run_scoped3A_124 : memref<!tpu.dma_semaphore, #tpu.memory_space<semaphore_mem>>)
      %dma_wait3A_133 = arith.constant 0 : i32
      %dma_wait3A_134 = tpu.memref_slice %arg7[%run_scoped3A, %dma_wait3A_133] : memref<4x64xi32, #tpu.memory_space<vmem>> -> memref<1x64xi32, #tpu.memory_space<vmem>>
      %dma_wait3A_135 = tpu.memref_squeeze %dma_wait3A_134 : memref<1x64xi32, #tpu.memory_space<vmem>> -> memref<64xi32, #tpu.memory_space<vmem>>
      %dma_wait3A_136 = tpu.memref_slice %arg4[%add3A_4] : memref<8192xi32, #tpu.memory_space<hbm>> -> memref<64xi32, #tpu.memory_space<hbm>>
      %dma_wait3A_137 = arith.constant 0 : i32
      %dma_wait3A_138 = tpu.memref_slice %arg7[%run_scoped3A, %dma_wait3A_137] : memref<4x64xi32, #tpu.memory_space<vmem>> -> memref<1x64xi32, #tpu.memory_space<vmem>>
      %dma_wait3A_139 = tpu.memref_squeeze %dma_wait3A_138 : memref<1x64xi32, #tpu.memory_space<vmem>> -> memref<64xi32, #tpu.memory_space<vmem>>
      %dma_wait3A_140 = tpu.memref_slice %arg4[%add3A_4] : memref<8192xi32, #tpu.memory_space<hbm>> -> memref<64xi32, #tpu.memory_space<hbm>>
      tpu.wait_dma2 semaphore(%run_scoped3A_124 : memref<!tpu.dma_semaphore, #tpu.memory_space<semaphore_mem>>) src(%dma_wait3A_140 : memref<64xi32, #tpu.memory_space<hbm>>) dst(%dma_wait3A_139 : memref<64xi32, #tpu.memory_space<vmem>>)
      tpu.yield
    }) : () -> ()
    "tpu.region"() ({
      %run_scoped3A_124 = tpu.sem_alloc : memref<!tpu.dma_semaphore, #tpu.memory_space<semaphore_mem>>
      %dma_start3A_125 = arith.constant 0 : i32
      %dma_start3A_126 = tpu.memref_slice %arg2[%add3A_4, %dma_start3A_125] : memref<8192x512xf32, #tpu.memory_space<hbm>> -> memref<64x512xf32, #tpu.memory_space<hbm>>
      %dma_start3A_127 = arith.constant 0 : i32
      %dma_start3A_128 = tpu.memref_slice %arg2[%add3A_4, %dma_start3A_127] : memref<8192x512xf32, #tpu.memory_space<hbm>> -> memref<64x512xf32, #tpu.memory_space<hbm>>
      tpu.enqueue_dma source(%dma_start3A_128 : memref<64x512xf32, #tpu.memory_space<hbm>>) target(%arg8 : memref<64x512xf32, #tpu.memory_space<vmem>>) target_semaphore(%run_scoped3A_124 : memref<!tpu.dma_semaphore, #tpu.memory_space<semaphore_mem>>)
      %dma_wait3A_129 = arith.constant 0 : i32
      %dma_wait3A_130 = tpu.memref_slice %arg2[%add3A_4, %dma_wait3A_129] : memref<8192x512xf32, #tpu.memory_space<hbm>> -> memref<64x512xf32, #tpu.memory_space<hbm>>
      %dma_wait3A_131 = arith.constant 0 : i32
      %dma_wait3A_132 = tpu.memref_slice %arg2[%add3A_4, %dma_wait3A_131] : memref<8192x512xf32, #tpu.memory_space<hbm>> -> memref<64x512xf32, #tpu.memory_space<hbm>>
      tpu.wait_dma2 semaphore(%run_scoped3A_124 : memref<!tpu.dma_semaphore, #tpu.memory_space<semaphore_mem>>) src(%dma_wait3A_132 : memref<64x512xf32, #tpu.memory_space<hbm>>) dst(%arg8 : memref<64x512xf32, #tpu.memory_space<vmem>>)
      tpu.yield
    }) : () -> ()
    %dma_start3A = arith.constant 0 : i32
    %dma_start3A_5 = arith.constant 0 : i32
    %dma_start3A_6 = tpu.memref_slice %arg7[%dma_start3A, %dma_start3A_5] : memref<4x64xi32, #tpu.memory_space<vmem>> -> memref<1x64xi32, #tpu.memory_space<vmem>>
    %dma_start3A_7 = tpu.memref_squeeze %dma_start3A_6 : memref<1x64xi32, #tpu.memory_space<vmem>> -> memref<64xi32, #tpu.memory_space<vmem>>
    %dma_start3A_8 = arith.constant 0 : i32
    %dma_start3A_9 = arith.constant 0 : i32
    %dma_start3A_10 = tpu.memref_slice %arg5[%dma_start3A_8, %dma_start3A_9] : memref<12288x512xf32, #tpu.memory_space<hbm>> -> memref<12288x512xf32, #tpu.memory_space<hbm>>
    tpu.enqueue_indirect_dma source(%arg8 : memref<64x512xf32, #tpu.memory_space<vmem>>) target(%dma_start3A_10 : memref<12288x512xf32, #tpu.memory_space<hbm>>) offsets(%dma_start3A_7 : memref<64xi32, #tpu.memory_space<vmem>>) semaphore(%arg10 : memref<!tpu.dma_semaphore, #tpu.memory_space<semaphore_mem>>)
    "tpu.region"() ({
      %run_scoped3A_124 = tpu.sem_alloc : memref<!tpu.dma_semaphore, #tpu.memory_space<semaphore_mem>>
      %dma_start3A_125 = arith.constant 0 : i32
      %dma_start3A_126 = tpu.memref_slice %arg3[%add3A_4, %dma_start3A_125] : memref<8192x512xf32, #tpu.memory_space<hbm>> -> memref<64x512xf32, #tpu.memory_space<hbm>>
      %dma_start3A_127 = arith.constant 0 : i32
      %dma_start3A_128 = tpu.memref_slice %arg3[%add3A_4, %dma_start3A_127] : memref<8192x512xf32, #tpu.memory_space<hbm>> -> memref<64x512xf32, #tpu.memory_space<hbm>>
      tpu.enqueue_dma source(%dma_start3A_128 : memref<64x512xf32, #tpu.memory_space<hbm>>) target(%arg9 : memref<64x512xf32, #tpu.memory_space<vmem>>) target_semaphore(%run_scoped3A_124 : memref<!tpu.dma_semaphore, #tpu.memory_space<semaphore_mem>>)
      %dma_wait3A_129 = arith.constant 0 : i32
      %dma_wait3A_130 = tpu.memref_slice %arg3[%add3A_4, %dma_wait3A_129] : memref<8192x512xf32, #tpu.memory_space<hbm>> -> memref<64x512xf32, #tpu.memory_space<hbm>>
      %dma_wait3A_131 = arith.constant 0 : i32
      %dma_wait3A_132 = tpu.memref_slice %arg3[%add3A_4, %dma_wait3A_131] : memref<8192x512xf32, #tpu.memory_space<hbm>> -> memref<64x512xf32, #tpu.memory_space<hbm>>
      tpu.wait_dma2 semaphore(%run_scoped3A_124 : memref<!tpu.dma_semaphore, #tpu.memory_space<semaphore_mem>>) src(%dma_wait3A_132 : memref<64x512xf32, #tpu.memory_space<hbm>>) dst(%arg9 : memref<64x512xf32, #tpu.memory_space<vmem>>)
      tpu.yield
    }) : () -> ()
    %dma_start3A_11 = arith.constant 0 : i32
    %dma_start3A_12 = arith.constant 0 : i32
    %dma_start3A_13 = tpu.memref_slice %arg7[%dma_start3A_11, %dma_start3A_12] : memref<4x64xi32, #tpu.memory_space<vmem>> -> memref<1x64xi32, #tpu.memory_space<vmem>>
    %dma_start3A_14 = tpu.memref_squeeze %dma_start3A_13 : memref<1x64xi32, #tpu.memory_space<vmem>> -> memref<64xi32, #tpu.memory_space<vmem>>
    %dma_start3A_15 = arith.constant 0 : i32
    %dma_start3A_16 = arith.constant 0 : i32
    %dma_start3A_17 = tpu.memref_slice %arg6[%dma_start3A_15, %dma_start3A_16] : memref<12288x512xf32, #tpu.memory_space<hbm>> -> memref<12288x512xf32, #tpu.memory_space<hbm>>
    tpu.enqueue_indirect_dma source(%arg9 : memref<64x512xf32, #tpu.memory_space<vmem>>) target(%dma_start3A_17 : memref<12288x512xf32, #tpu.memory_space<hbm>>) offsets(%dma_start3A_14 : memref<64xi32, #tpu.memory_space<vmem>>) semaphore(%arg11 : memref<!tpu.dma_semaphore, #tpu.memory_space<semaphore_mem>>)
    %add3A_18 = arith.constant 64 : i32
    %add3A_19 = arith.addi %mul3A_2, %add3A_18 : i32
    %run_scoped3A_20 = arith.constant 1 : i32
    "tpu.region"() ({
      %run_scoped3A_124 = tpu.sem_alloc : memref<!tpu.dma_semaphore, #tpu.memory_space<semaphore_mem>>
      %dma_start3A_125 = arith.constant 0 : i32
      %dma_start3A_126 = tpu.memref_slice %arg7[%run_scoped3A_20, %dma_start3A_125] : memref<4x64xi32, #tpu.memory_space<vmem>> -> memref<1x64xi32, #tpu.memory_space<vmem>>
      %dma_start3A_127 = tpu.memref_squeeze %dma_start3A_126 : memref<1x64xi32, #tpu.memory_space<vmem>> -> memref<64xi32, #tpu.memory_space<vmem>>
      %dma_start3A_128 = tpu.memref_slice %arg4[%add3A_19] : memref<8192xi32, #tpu.memory_space<hbm>> -> memref<64xi32, #tpu.memory_space<hbm>>
      %dma_start3A_129 = arith.constant 0 : i32
      %dma_start3A_130 = tpu.memref_slice %arg7[%run_scoped3A_20, %dma_start3A_129] : memref<4x64xi32, #tpu.memory_space<vmem>> -> memref<1x64xi32, #tpu.memory_space<vmem>>
      %dma_start3A_131 = tpu.memref_squeeze %dma_start3A_130 : memref<1x64xi32, #tpu.memory_space<vmem>> -> memref<64xi32, #tpu.memory_space<vmem>>
      %dma_start3A_132 = tpu.memref_slice %arg4[%add3A_19] : memref<8192xi32, #tpu.memory_space<hbm>> -> memref<64xi32, #tpu.memory_space<hbm>>
      tpu.enqueue_dma source(%dma_start3A_132 : memref<64xi32, #tpu.memory_space<hbm>>) target(%dma_start3A_131 : memref<64xi32, #tpu.memory_space<vmem>>) target_semaphore(%run_scoped3A_124 : memref<!tpu.dma_semaphore, #tpu.memory_space<semaphore_mem>>)
      %dma_wait3A_133 = arith.constant 0 : i32
      %dma_wait3A_134 = tpu.memref_slice %arg7[%run_scoped3A_20, %dma_wait3A_133] : memref<4x64xi32, #tpu.memory_space<vmem>> -> memref<1x64xi32, #tpu.memory_space<vmem>>
      %dma_wait3A_135 = tpu.memref_squeeze %dma_wait3A_134 : memref<1x64xi32, #tpu.memory_space<vmem>> -> memref<64xi32, #tpu.memory_space<vmem>>
      %dma_wait3A_136 = tpu.memref_slice %arg4[%add3A_19] : memref<8192xi32, #tpu.memory_space<hbm>> -> memref<64xi32, #tpu.memory_space<hbm>>
      %dma_wait3A_137 = arith.constant 0 : i32
      %dma_wait3A_138 = tpu.memref_slice %arg7[%run_scoped3A_20, %dma_wait3A_137] : memref<4x64xi32, #tpu.memory_space<vmem>> -> memref<1x64xi32, #tpu.memory_space<vmem>>
      %dma_wait3A_139 = tpu.memref_squeeze %dma_wait3A_138 : memref<1x64xi32, #tpu.memory_space<vmem>> -> memref<64xi32, #tpu.memory_space<vmem>>
      %dma_wait3A_140 = tpu.memref_slice %arg4[%add3A_19] : memref<8192xi32, #tpu.memory_space<hbm>> -> memref<64xi32, #tpu.memory_space<hbm>>
      tpu.wait_dma2 semaphore(%run_scoped3A_124 : memref<!tpu.dma_semaphore, #tpu.memory_space<semaphore_mem>>) src(%dma_wait3A_140 : memref<64xi32, #tpu.memory_space<hbm>>) dst(%dma_wait3A_139 : memref<64xi32, #tpu.memory_space<vmem>>)
      tpu.yield
    }) : () -> ()
    %dma_wait3A = arith.constant 0 : i32
    %dma_wait3A_21 = arith.constant 0 : i32
    %dma_wait3A_22 = tpu.memref_slice %arg7[%dma_wait3A, %dma_wait3A_21] : memref<4x64xi32, #tpu.memory_space<vmem>> -> memref<1x64xi32, #tpu.memory_space<vmem>>
    %dma_wait3A_23 = tpu.memref_squeeze %dma_wait3A_22 : memref<1x64xi32, #tpu.memory_space<vmem>> -> memref<64xi32, #tpu.memory_space<vmem>>
    %dma_wait3A_24 = arith.constant 0 : i32
    %dma_wait3A_25 = arith.constant 0 : i32
    %dma_wait3A_26 = tpu.memref_slice %arg5[%dma_wait3A_24, %dma_wait3A_25] : memref<12288x512xf32, #tpu.memory_space<hbm>> -> memref<12288x512xf32, #tpu.memory_space<hbm>>
    tpu.wait_indirect_dma semaphore(%arg10 : memref<!tpu.dma_semaphore, #tpu.memory_space<semaphore_mem>>) src(%arg8 : memref<64x512xf32, #tpu.memory_space<vmem>>) dst(%dma_wait3A_26 : memref<12288x512xf32, #tpu.memory_space<hbm>>)
    "tpu.region"() ({
      %run_scoped3A_124 = tpu.sem_alloc : memref<!tpu.dma_semaphore, #tpu.memory_space<semaphore_mem>>
      %dma_start3A_125 = arith.constant 0 : i32
      %dma_start3A_126 = tpu.memref_slice %arg2[%add3A_19, %dma_start3A_125] : memref<8192x512xf32, #tpu.memory_space<hbm>> -> memref<64x512xf32, #tpu.memory_space<hbm>>
      %dma_start3A_127 = arith.constant 0 : i32
      %dma_start3A_128 = tpu.memref_slice %arg2[%add3A_19, %dma_start3A_127] : memref<8192x512xf32, #tpu.memory_space<hbm>> -> memref<64x512xf32, #tpu.memory_space<hbm>>
      tpu.enqueue_dma source(%dma_start3A_128 : memref<64x512xf32, #tpu.memory_space<hbm>>) target(%arg8 : memref<64x512xf32, #tpu.memory_space<vmem>>) target_semaphore(%run_scoped3A_124 : memref<!tpu.dma_semaphore, #tpu.memory_space<semaphore_mem>>)
      %dma_wait3A_129 = arith.constant 0 : i32
      %dma_wait3A_130 = tpu.memref_slice %arg2[%add3A_19, %dma_wait3A_129] : memref<8192x512xf32, #tpu.memory_space<hbm>> -> memref<64x512xf32, #tpu.memory_space<hbm>>
      %dma_wait3A_131 = arith.constant 0 : i32
      %dma_wait3A_132 = tpu.memref_slice %arg2[%add3A_19, %dma_wait3A_131] : memref<8192x512xf32, #tpu.memory_space<hbm>> -> memref<64x512xf32, #tpu.memory_space<hbm>>
      tpu.wait_dma2 semaphore(%run_scoped3A_124 : memref<!tpu.dma_semaphore, #tpu.memory_space<semaphore_mem>>) src(%dma_wait3A_132 : memref<64x512xf32, #tpu.memory_space<hbm>>) dst(%arg8 : memref<64x512xf32, #tpu.memory_space<vmem>>)
      tpu.yield
    }) : () -> ()
    %dma_start3A_27 = arith.constant 1 : i32
    %dma_start3A_28 = arith.constant 0 : i32
    %dma_start3A_29 = tpu.memref_slice %arg7[%dma_start3A_27, %dma_start3A_28] : memref<4x64xi32, #tpu.memory_space<vmem>> -> memref<1x64xi32, #tpu.memory_space<vmem>>
    %dma_start3A_30 = tpu.memref_squeeze %dma_start3A_29 : memref<1x64xi32, #tpu.memory_space<vmem>> -> memref<64xi32, #tpu.memory_space<vmem>>
    %dma_start3A_31 = arith.constant 0 : i32
    %dma_start3A_32 = arith.constant 0 : i32
    %dma_start3A_33 = tpu.memref_slice %arg5[%dma_start3A_31, %dma_start3A_32] : memref<12288x512xf32, #tpu.memory_space<hbm>> -> memref<12288x512xf32, #tpu.memory_space<hbm>>
    tpu.enqueue_indirect_dma source(%arg8 : memref<64x512xf32, #tpu.memory_space<vmem>>) target(%dma_start3A_33 : memref<12288x512xf32, #tpu.memory_space<hbm>>) offsets(%dma_start3A_30 : memref<64xi32, #tpu.memory_space<vmem>>) semaphore(%arg10 : memref<!tpu.dma_semaphore, #tpu.memory_space<semaphore_mem>>)
    %dma_wait3A_34 = arith.constant 0 : i32
    %dma_wait3A_35 = arith.constant 0 : i32
    %dma_wait3A_36 = tpu.memref_slice %arg7[%dma_wait3A_34, %dma_wait3A_35] : memref<4x64xi32, #tpu.memory_space<vmem>> -> memref<1x64xi32, #tpu.memory_space<vmem>>
    %dma_wait3A_37 = tpu.memref_squeeze %dma_wait3A_36 : memref<1x64xi32, #tpu.memory_space<vmem>> -> memref<64xi32, #tpu.memory_space<vmem>>
    %dma_wait3A_38 = arith.constant 0 : i32
    %dma_wait3A_39 = arith.constant 0 : i32
    %dma_wait3A_40 = tpu.memref_slice %arg6[%dma_wait3A_38, %dma_wait3A_39] : memref<12288x512xf32, #tpu.memory_space<hbm>> -> memref<12288x512xf32, #tpu.memory_space<hbm>>
    tpu.wait_indirect_dma semaphore(%arg11 : memref<!tpu.dma_semaphore, #tpu.memory_space<semaphore_mem>>) src(%arg9 : memref<64x512xf32, #tpu.memory_space<vmem>>) dst(%dma_wait3A_40 : memref<12288x512xf32, #tpu.memory_space<hbm>>)
    "tpu.region"() ({
      %run_scoped3A_124 = tpu.sem_alloc : memref<!tpu.dma_semaphore, #tpu.memory_space<semaphore_mem>>
      %dma_start3A_125 = arith.constant 0 : i32
      %dma_start3A_126 = tpu.memref_slice %arg3[%add3A_19, %dma_start3A_125] : memref<8192x512xf32, #tpu.memory_space<hbm>> -> memref<64x512xf32, #tpu.memory_space<hbm>>
      %dma_start3A_127 = arith.constant 0 : i32
      %dma_start3A_128 = tpu.memref_slice %arg3[%add3A_19, %dma_start3A_127] : memref<8192x512xf32, #tpu.memory_space<hbm>> -> memref<64x512xf32, #tpu.memory_space<hbm>>
      tpu.enqueue_dma source(%dma_start3A_128 : memref<64x512xf32, #tpu.memory_space<hbm>>) target(%arg9 : memref<64x512xf32, #tpu.memory_space<vmem>>) target_semaphore(%run_scoped3A_124 : memref<!tpu.dma_semaphore, #tpu.memory_space<semaphore_mem>>)
      %dma_wait3A_129 = arith.constant 0 : i32
      %dma_wait3A_130 = tpu.memref_slice %arg3[%add3A_19, %dma_wait3A_129] : memref<8192x512xf32, #tpu.memory_space<hbm>> -> memref<64x512xf32, #tpu.memory_space<hbm>>
      %dma_wait3A_131 = arith.constant 0 : i32
      %dma_wait3A_132 = tpu.memref_slice %arg3[%add3A_19, %dma_wait3A_131] : memref<8192x512xf32, #tpu.memory_space<hbm>> -> memref<64x512xf32, #tpu.memory_space<hbm>>
      tpu.wait_dma2 semaphore(%run_scoped3A_124 : memref<!tpu.dma_semaphore, #tpu.memory_space<semaphore_mem>>) src(%dma_wait3A_132 : memref<64x512xf32, #tpu.memory_space<hbm>>) dst(%arg9 : memref<64x512xf32, #tpu.memory_space<vmem>>)
      tpu.yield
    }) : () -> ()
    %dma_start3A_41 = arith.constant 1 : i32
    %dma_start3A_42 = arith.constant 0 : i32
    %dma_start3A_43 = tpu.memref_slice %arg7[%dma_start3A_41, %dma_start3A_42] : memref<4x64xi32, #tpu.memory_space<vmem>> -> memref<1x64xi32, #tpu.memory_space<vmem>>
    %dma_start3A_44 = tpu.memref_squeeze %dma_start3A_43 : memref<1x64xi32, #tpu.memory_space<vmem>> -> memref<64xi32, #tpu.memory_space<vmem>>
    %dma_start3A_45 = arith.constant 0 : i32
    %dma_start3A_46 = arith.constant 0 : i32
    %dma_start3A_47 = tpu.memref_slice %arg6[%dma_start3A_45, %dma_start3A_46] : memref<12288x512xf32, #tpu.memory_space<hbm>> -> memref<12288x512xf32, #tpu.memory_space<hbm>>
    tpu.enqueue_indirect_dma source(%arg9 : memref<64x512xf32, #tpu.memory_space<vmem>>) target(%dma_start3A_47 : memref<12288x512xf32, #tpu.memory_space<hbm>>) offsets(%dma_start3A_44 : memref<64xi32, #tpu.memory_space<vmem>>) semaphore(%arg11 : memref<!tpu.dma_semaphore, #tpu.memory_space<semaphore_mem>>)
    %add3A_48 = arith.constant 128 : i32
    %add3A_49 = arith.addi %mul3A_2, %add3A_48 : i32
    %run_scoped3A_50 = arith.constant 2 : i32
    "tpu.region"() ({
      %run_scoped3A_124 = tpu.sem_alloc : memref<!tpu.dma_semaphore, #tpu.memory_space<semaphore_mem>>
      %dma_start3A_125 = arith.constant 0 : i32
      %dma_start3A_126 = tpu.memref_slice %arg7[%run_scoped3A_50, %dma_start3A_125] : memref<4x64xi32, #tpu.memory_space<vmem>> -> memref<1x64xi32, #tpu.memory_space<vmem>>
      %dma_start3A_127 = tpu.memref_squeeze %dma_start3A_126 : memref<1x64xi32, #tpu.memory_space<vmem>> -> memref<64xi32, #tpu.memory_space<vmem>>
      %dma_start3A_128 = tpu.memref_slice %arg4[%add3A_49] : memref<8192xi32, #tpu.memory_space<hbm>> -> memref<64xi32, #tpu.memory_space<hbm>>
      %dma_start3A_129 = arith.constant 0 : i32
      %dma_start3A_130 = tpu.memref_slice %arg7[%run_scoped3A_50, %dma_start3A_129] : memref<4x64xi32, #tpu.memory_space<vmem>> -> memref<1x64xi32, #tpu.memory_space<vmem>>
      %dma_start3A_131 = tpu.memref_squeeze %dma_start3A_130 : memref<1x64xi32, #tpu.memory_space<vmem>> -> memref<64xi32, #tpu.memory_space<vmem>>
      %dma_start3A_132 = tpu.memref_slice %arg4[%add3A_49] : memref<8192xi32, #tpu.memory_space<hbm>> -> memref<64xi32, #tpu.memory_space<hbm>>
      tpu.enqueue_dma source(%dma_start3A_132 : memref<64xi32, #tpu.memory_space<hbm>>) target(%dma_start3A_131 : memref<64xi32, #tpu.memory_space<vmem>>) target_semaphore(%run_scoped3A_124 : memref<!tpu.dma_semaphore, #tpu.memory_space<semaphore_mem>>)
      %dma_wait3A_133 = arith.constant 0 : i32
      %dma_wait3A_134 = tpu.memref_slice %arg7[%run_scoped3A_50, %dma_wait3A_133] : memref<4x64xi32, #tpu.memory_space<vmem>> -> memref<1x64xi32, #tpu.memory_space<vmem>>
      %dma_wait3A_135 = tpu.memref_squeeze %dma_wait3A_134 : memref<1x64xi32, #tpu.memory_space<vmem>> -> memref<64xi32, #tpu.memory_space<vmem>>
      %dma_wait3A_136 = tpu.memref_slice %arg4[%add3A_49] : memref<8192xi32, #tpu.memory_space<hbm>> -> memref<64xi32, #tpu.memory_space<hbm>>
      %dma_wait3A_137 = arith.constant 0 : i32
      %dma_wait3A_138 = tpu.memref_slice %arg7[%run_scoped3A_50, %dma_wait3A_137] : memref<4x64xi32, #tpu.memory_space<vmem>> -> memref<1x64xi32, #tpu.memory_space<vmem>>
      %dma_wait3A_139 = tpu.memref_squeeze %dma_wait3A_138 : memref<1x64xi32, #tpu.memory_space<vmem>> -> memref<64xi32, #tpu.memory_space<vmem>>
      %dma_wait3A_140 = tpu.memref_slice %arg4[%add3A_49] : memref<8192xi32, #tpu.memory_space<hbm>> -> memref<64xi32, #tpu.memory_space<hbm>>
      tpu.wait_dma2 semaphore(%run_scoped3A_124 : memref<!tpu.dma_semaphore, #tpu.memory_space<semaphore_mem>>) src(%dma_wait3A_140 : memref<64xi32, #tpu.memory_space<hbm>>) dst(%dma_wait3A_139 : memref<64xi32, #tpu.memory_space<vmem>>)
      tpu.yield
    }) : () -> ()
    %dma_wait3A_51 = arith.constant 1 : i32
    %dma_wait3A_52 = arith.constant 0 : i32
    %dma_wait3A_53 = tpu.memref_slice %arg7[%dma_wait3A_51, %dma_wait3A_52] : memref<4x64xi32, #tpu.memory_space<vmem>> -> memref<1x64xi32, #tpu.memory_space<vmem>>
    %dma_wait3A_54 = tpu.memref_squeeze %dma_wait3A_53 : memref<1x64xi32, #tpu.memory_space<vmem>> -> memref<64xi32, #tpu.memory_space<vmem>>
    %dma_wait3A_55 = arith.constant 0 : i32
    %dma_wait3A_56 = arith.constant 0 : i32
    %dma_wait3A_57 = tpu.memref_slice %arg5[%dma_wait3A_55, %dma_wait3A_56] : memref<12288x512xf32, #tpu.memory_space<hbm>> -> memref<12288x512xf32, #tpu.memory_space<hbm>>
    tpu.wait_indirect_dma semaphore(%arg10 : memref<!tpu.dma_semaphore, #tpu.memory_space<semaphore_mem>>) src(%arg8 : memref<64x512xf32, #tpu.memory_space<vmem>>) dst(%dma_wait3A_57 : memref<12288x512xf32, #tpu.memory_space<hbm>>)
    "tpu.region"() ({
      %run_scoped3A_124 = tpu.sem_alloc : memref<!tpu.dma_semaphore, #tpu.memory_space<semaphore_mem>>
      %dma_start3A_125 = arith.constant 0 : i32
      %dma_start3A_126 = tpu.memref_slice %arg2[%add3A_49, %dma_start3A_125] : memref<8192x512xf32, #tpu.memory_space<hbm>> -> memref<64x512xf32, #tpu.memory_space<hbm>>
      %dma_start3A_127 = arith.constant 0 : i32
      %dma_start3A_128 = tpu.memref_slice %arg2[%add3A_49, %dma_start3A_127] : memref<8192x512xf32, #tpu.memory_space<hbm>> -> memref<64x512xf32, #tpu.memory_space<hbm>>
      tpu.enqueue_dma source(%dma_start3A_128 : memref<64x512xf32, #tpu.memory_space<hbm>>) target(%arg8 : memref<64x512xf32, #tpu.memory_space<vmem>>) target_semaphore(%run_scoped3A_124 : memref<!tpu.dma_semaphore, #tpu.memory_space<semaphore_mem>>)
      %dma_wait3A_129 = arith.constant 0 : i32
      %dma_wait3A_130 = tpu.memref_slice %arg2[%add3A_49, %dma_wait3A_129] : memref<8192x512xf32, #tpu.memory_space<hbm>> -> memref<64x512xf32, #tpu.memory_space<hbm>>
      %dma_wait3A_131 = arith.constant 0 : i32
      %dma_wait3A_132 = tpu.memref_slice %arg2[%add3A_49, %dma_wait3A_131] : memref<8192x512xf32, #tpu.memory_space<hbm>> -> memref<64x512xf32, #tpu.memory_space<hbm>>
      tpu.wait_dma2 semaphore(%run_scoped3A_124 : memref<!tpu.dma_semaphore, #tpu.memory_space<semaphore_mem>>) src(%dma_wait3A_132 : memref<64x512xf32, #tpu.memory_space<hbm>>) dst(%arg8 : memref<64x512xf32, #tpu.memory_space<vmem>>)
      tpu.yield
    }) : () -> ()
    %dma_start3A_58 = arith.constant 2 : i32
    %dma_start3A_59 = arith.constant 0 : i32
    %dma_start3A_60 = tpu.memref_slice %arg7[%dma_start3A_58, %dma_start3A_59] : memref<4x64xi32, #tpu.memory_space<vmem>> -> memref<1x64xi32, #tpu.memory_space<vmem>>
    %dma_start3A_61 = tpu.memref_squeeze %dma_start3A_60 : memref<1x64xi32, #tpu.memory_space<vmem>> -> memref<64xi32, #tpu.memory_space<vmem>>
    %dma_start3A_62 = arith.constant 0 : i32
    %dma_start3A_63 = arith.constant 0 : i32
    %dma_start3A_64 = tpu.memref_slice %arg5[%dma_start3A_62, %dma_start3A_63] : memref<12288x512xf32, #tpu.memory_space<hbm>> -> memref<12288x512xf32, #tpu.memory_space<hbm>>
    tpu.enqueue_indirect_dma source(%arg8 : memref<64x512xf32, #tpu.memory_space<vmem>>) target(%dma_start3A_64 : memref<12288x512xf32, #tpu.memory_space<hbm>>) offsets(%dma_start3A_61 : memref<64xi32, #tpu.memory_space<vmem>>) semaphore(%arg10 : memref<!tpu.dma_semaphore, #tpu.memory_space<semaphore_mem>>)
    %dma_wait3A_65 = arith.constant 1 : i32
    %dma_wait3A_66 = arith.constant 0 : i32
    %dma_wait3A_67 = tpu.memref_slice %arg7[%dma_wait3A_65, %dma_wait3A_66] : memref<4x64xi32, #tpu.memory_space<vmem>> -> memref<1x64xi32, #tpu.memory_space<vmem>>
    %dma_wait3A_68 = tpu.memref_squeeze %dma_wait3A_67 : memref<1x64xi32, #tpu.memory_space<vmem>> -> memref<64xi32, #tpu.memory_space<vmem>>
    %dma_wait3A_69 = arith.constant 0 : i32
    %dma_wait3A_70 = arith.constant 0 : i32
    %dma_wait3A_71 = tpu.memref_slice %arg6[%dma_wait3A_69, %dma_wait3A_70] : memref<12288x512xf32, #tpu.memory_space<hbm>> -> memref<12288x512xf32, #tpu.memory_space<hbm>>
    tpu.wait_indirect_dma semaphore(%arg11 : memref<!tpu.dma_semaphore, #tpu.memory_space<semaphore_mem>>) src(%arg9 : memref<64x512xf32, #tpu.memory_space<vmem>>) dst(%dma_wait3A_71 : memref<12288x512xf32, #tpu.memory_space<hbm>>)
    "tpu.region"() ({
      %run_scoped3A_124 = tpu.sem_alloc : memref<!tpu.dma_semaphore, #tpu.memory_space<semaphore_mem>>
      %dma_start3A_125 = arith.constant 0 : i32
      %dma_start3A_126 = tpu.memref_slice %arg3[%add3A_49, %dma_start3A_125] : memref<8192x512xf32, #tpu.memory_space<hbm>> -> memref<64x512xf32, #tpu.memory_space<hbm>>
      %dma_start3A_127 = arith.constant 0 : i32
      %dma_start3A_128 = tpu.memref_slice %arg3[%add3A_49, %dma_start3A_127] : memref<8192x512xf32, #tpu.memory_space<hbm>> -> memref<64x512xf32, #tpu.memory_space<hbm>>
      tpu.enqueue_dma source(%dma_start3A_128 : memref<64x512xf32, #tpu.memory_space<hbm>>) target(%arg9 : memref<64x512xf32, #tpu.memory_space<vmem>>) target_semaphore(%run_scoped3A_124 : memref<!tpu.dma_semaphore, #tpu.memory_space<semaphore_mem>>)
      %dma_wait3A_129 = arith.constant 0 : i32
      %dma_wait3A_130 = tpu.memref_slice %arg3[%add3A_49, %dma_wait3A_129] : memref<8192x512xf32, #tpu.memory_space<hbm>> -> memref<64x512xf32, #tpu.memory_space<hbm>>
      %dma_wait3A_131 = arith.constant 0 : i32
      %dma_wait3A_132 = tpu.memref_slice %arg3[%add3A_49, %dma_wait3A_131] : memref<8192x512xf32, #tpu.memory_space<hbm>> -> memref<64x512xf32, #tpu.memory_space<hbm>>
      tpu.wait_dma2 semaphore(%run_scoped3A_124 : memref<!tpu.dma_semaphore, #tpu.memory_space<semaphore_mem>>) src(%dma_wait3A_132 : memref<64x512xf32, #tpu.memory_space<hbm>>) dst(%arg9 : memref<64x512xf32, #tpu.memory_space<vmem>>)
      tpu.yield
    }) : () -> ()
    %dma_start3A_72 = arith.constant 2 : i32
    %dma_start3A_73 = arith.constant 0 : i32
    %dma_start3A_74 = tpu.memref_slice %arg7[%dma_start3A_72, %dma_start3A_73] : memref<4x64xi32, #tpu.memory_space<vmem>> -> memref<1x64xi32, #tpu.memory_space<vmem>>
    %dma_start3A_75 = tpu.memref_squeeze %dma_start3A_74 : memref<1x64xi32, #tpu.memory_space<vmem>> -> memref<64xi32, #tpu.memory_space<vmem>>
    %dma_start3A_76 = arith.constant 0 : i32
    %dma_start3A_77 = arith.constant 0 : i32
    %dma_start3A_78 = tpu.memref_slice %arg6[%dma_start3A_76, %dma_start3A_77] : memref<12288x512xf32, #tpu.memory_space<hbm>> -> memref<12288x512xf32, #tpu.memory_space<hbm>>
    tpu.enqueue_indirect_dma source(%arg9 : memref<64x512xf32, #tpu.memory_space<vmem>>) target(%dma_start3A_78 : memref<12288x512xf32, #tpu.memory_space<hbm>>) offsets(%dma_start3A_75 : memref<64xi32, #tpu.memory_space<vmem>>) semaphore(%arg11 : memref<!tpu.dma_semaphore, #tpu.memory_space<semaphore_mem>>)
    %add3A_79 = arith.constant 192 : i32
    %add3A_80 = arith.addi %mul3A_2, %add3A_79 : i32
    %run_scoped3A_81 = arith.constant 3 : i32
    "tpu.region"() ({
      %run_scoped3A_124 = tpu.sem_alloc : memref<!tpu.dma_semaphore, #tpu.memory_space<semaphore_mem>>
      %dma_start3A_125 = arith.constant 0 : i32
      %dma_start3A_126 = tpu.memref_slice %arg7[%run_scoped3A_81, %dma_start3A_125] : memref<4x64xi32, #tpu.memory_space<vmem>> -> memref<1x64xi32, #tpu.memory_space<vmem>>
      %dma_start3A_127 = tpu.memref_squeeze %dma_start3A_126 : memref<1x64xi32, #tpu.memory_space<vmem>> -> memref<64xi32, #tpu.memory_space<vmem>>
      %dma_start3A_128 = tpu.memref_slice %arg4[%add3A_80] : memref<8192xi32, #tpu.memory_space<hbm>> -> memref<64xi32, #tpu.memory_space<hbm>>
      %dma_start3A_129 = arith.constant 0 : i32
      %dma_start3A_130 = tpu.memref_slice %arg7[%run_scoped3A_81, %dma_start3A_129] : memref<4x64xi32, #tpu.memory_space<vmem>> -> memref<1x64xi32, #tpu.memory_space<vmem>>
      %dma_start3A_131 = tpu.memref_squeeze %dma_start3A_130 : memref<1x64xi32, #tpu.memory_space<vmem>> -> memref<64xi32, #tpu.memory_space<vmem>>
      %dma_start3A_132 = tpu.memref_slice %arg4[%add3A_80] : memref<8192xi32, #tpu.memory_space<hbm>> -> memref<64xi32, #tpu.memory_space<hbm>>
      tpu.enqueue_dma source(%dma_start3A_132 : memref<64xi32, #tpu.memory_space<hbm>>) target(%dma_start3A_131 : memref<64xi32, #tpu.memory_space<vmem>>) target_semaphore(%run_scoped3A_124 : memref<!tpu.dma_semaphore, #tpu.memory_space<semaphore_mem>>)
      %dma_wait3A_133 = arith.constant 0 : i32
      %dma_wait3A_134 = tpu.memref_slice %arg7[%run_scoped3A_81, %dma_wait3A_133] : memref<4x64xi32, #tpu.memory_space<vmem>> -> memref<1x64xi32, #tpu.memory_space<vmem>>
      %dma_wait3A_135 = tpu.memref_squeeze %dma_wait3A_134 : memref<1x64xi32, #tpu.memory_space<vmem>> -> memref<64xi32, #tpu.memory_space<vmem>>
      %dma_wait3A_136 = tpu.memref_slice %arg4[%add3A_80] : memref<8192xi32, #tpu.memory_space<hbm>> -> memref<64xi32, #tpu.memory_space<hbm>>
      %dma_wait3A_137 = arith.constant 0 : i32
      %dma_wait3A_138 = tpu.memref_slice %arg7[%run_scoped3A_81, %dma_wait3A_137] : memref<4x64xi32, #tpu.memory_space<vmem>> -> memref<1x64xi32, #tpu.memory_space<vmem>>
      %dma_wait3A_139 = tpu.memref_squeeze %dma_wait3A_138 : memref<1x64xi32, #tpu.memory_space<vmem>> -> memref<64xi32, #tpu.memory_space<vmem>>
      %dma_wait3A_140 = tpu.memref_slice %arg4[%add3A_80] : memref<8192xi32, #tpu.memory_space<hbm>> -> memref<64xi32, #tpu.memory_space<hbm>>
      tpu.wait_dma2 semaphore(%run_scoped3A_124 : memref<!tpu.dma_semaphore, #tpu.memory_space<semaphore_mem>>) src(%dma_wait3A_140 : memref<64xi32, #tpu.memory_space<hbm>>) dst(%dma_wait3A_139 : memref<64xi32, #tpu.memory_space<vmem>>)
      tpu.yield
    }) : () -> ()
    %dma_wait3A_82 = arith.constant 2 : i32
    %dma_wait3A_83 = arith.constant 0 : i32
    %dma_wait3A_84 = tpu.memref_slice %arg7[%dma_wait3A_82, %dma_wait3A_83] : memref<4x64xi32, #tpu.memory_space<vmem>> -> memref<1x64xi32, #tpu.memory_space<vmem>>
    %dma_wait3A_85 = tpu.memref_squeeze %dma_wait3A_84 : memref<1x64xi32, #tpu.memory_space<vmem>> -> memref<64xi32, #tpu.memory_space<vmem>>
    %dma_wait3A_86 = arith.constant 0 : i32
    %dma_wait3A_87 = arith.constant 0 : i32
    %dma_wait3A_88 = tpu.memref_slice %arg5[%dma_wait3A_86, %dma_wait3A_87] : memref<12288x512xf32, #tpu.memory_space<hbm>> -> memref<12288x512xf32, #tpu.memory_space<hbm>>
    tpu.wait_indirect_dma semaphore(%arg10 : memref<!tpu.dma_semaphore, #tpu.memory_space<semaphore_mem>>) src(%arg8 : memref<64x512xf32, #tpu.memory_space<vmem>>) dst(%dma_wait3A_88 : memref<12288x512xf32, #tpu.memory_space<hbm>>)
    "tpu.region"() ({
      %run_scoped3A_124 = tpu.sem_alloc : memref<!tpu.dma_semaphore, #tpu.memory_space<semaphore_mem>>
      %dma_start3A_125 = arith.constant 0 : i32
      %dma_start3A_126 = tpu.memref_slice %arg2[%add3A_80, %dma_start3A_125] : memref<8192x512xf32, #tpu.memory_space<hbm>> -> memref<64x512xf32, #tpu.memory_space<hbm>>
      %dma_start3A_127 = arith.constant 0 : i32
      %dma_start3A_128 = tpu.memref_slice %arg2[%add3A_80, %dma_start3A_127] : memref<8192x512xf32, #tpu.memory_space<hbm>> -> memref<64x512xf32, #tpu.memory_space<hbm>>
      tpu.enqueue_dma source(%dma_start3A_128 : memref<64x512xf32, #tpu.memory_space<hbm>>) target(%arg8 : memref<64x512xf32, #tpu.memory_space<vmem>>) target_semaphore(%run_scoped3A_124 : memref<!tpu.dma_semaphore, #tpu.memory_space<semaphore_mem>>)
      %dma_wait3A_129 = arith.constant 0 : i32
      %dma_wait3A_130 = tpu.memref_slice %arg2[%add3A_80, %dma_wait3A_129] : memref<8192x512xf32, #tpu.memory_space<hbm>> -> memref<64x512xf32, #tpu.memory_space<hbm>>
      %dma_wait3A_131 = arith.constant 0 : i32
      %dma_wait3A_132 = tpu.memref_slice %arg2[%add3A_80, %dma_wait3A_131] : memref<8192x512xf32, #tpu.memory_space<hbm>> -> memref<64x512xf32, #tpu.memory_space<hbm>>
      tpu.wait_dma2 semaphore(%run_scoped3A_124 : memref<!tpu.dma_semaphore, #tpu.memory_space<semaphore_mem>>) src(%dma_wait3A_132 : memref<64x512xf32, #tpu.memory_space<hbm>>) dst(%arg8 : memref<64x512xf32, #tpu.memory_space<vmem>>)
      tpu.yield
    }) : () -> ()
    %dma_start3A_89 = arith.constant 3 : i32
    %dma_start3A_90 = arith.constant 0 : i32
    %dma_start3A_91 = tpu.memref_slice %arg7[%dma_start3A_89, %dma_start3A_90] : memref<4x64xi32, #tpu.memory_space<vmem>> -> memref<1x64xi32, #tpu.memory_space<vmem>>
    %dma_start3A_92 = tpu.memref_squeeze %dma_start3A_91 : memref<1x64xi32, #tpu.memory_space<vmem>> -> memref<64xi32, #tpu.memory_space<vmem>>
    %dma_start3A_93 = arith.constant 0 : i32
    %dma_start3A_94 = arith.constant 0 : i32
    %dma_start3A_95 = tpu.memref_slice %arg5[%dma_start3A_93, %dma_start3A_94] : memref<12288x512xf32, #tpu.memory_space<hbm>> -> memref<12288x512xf32, #tpu.memory_space<hbm>>
    tpu.enqueue_indirect_dma source(%arg8 : memref<64x512xf32, #tpu.memory_space<vmem>>) target(%dma_start3A_95 : memref<12288x512xf32, #tpu.memory_space<hbm>>) offsets(%dma_start3A_92 : memref<64xi32, #tpu.memory_space<vmem>>) semaphore(%arg10 : memref<!tpu.dma_semaphore, #tpu.memory_space<semaphore_mem>>)
    %dma_wait3A_96 = arith.constant 2 : i32
    %dma_wait3A_97 = arith.constant 0 : i32
    %dma_wait3A_98 = tpu.memref_slice %arg7[%dma_wait3A_96, %dma_wait3A_97] : memref<4x64xi32, #tpu.memory_space<vmem>> -> memref<1x64xi32, #tpu.memory_space<vmem>>
    %dma_wait3A_99 = tpu.memref_squeeze %dma_wait3A_98 : memref<1x64xi32, #tpu.memory_space<vmem>> -> memref<64xi32, #tpu.memory_space<vmem>>
    %dma_wait3A_100 = arith.constant 0 : i32
    %dma_wait3A_101 = arith.constant 0 : i32
    %dma_wait3A_102 = tpu.memref_slice %arg6[%dma_wait3A_100, %dma_wait3A_101] : memref<12288x512xf32, #tpu.memory_space<hbm>> -> memref<12288x512xf32, #tpu.memory_space<hbm>>
    tpu.wait_indirect_dma semaphore(%arg11 : memref<!tpu.dma_semaphore, #tpu.memory_space<semaphore_mem>>) src(%arg9 : memref<64x512xf32, #tpu.memory_space<vmem>>) dst(%dma_wait3A_102 : memref<12288x512xf32, #tpu.memory_space<hbm>>)
    "tpu.region"() ({
      %run_scoped3A_124 = tpu.sem_alloc : memref<!tpu.dma_semaphore, #tpu.memory_space<semaphore_mem>>
      %dma_start3A_125 = arith.constant 0 : i32
      %dma_start3A_126 = tpu.memref_slice %arg3[%add3A_80, %dma_start3A_125] : memref<8192x512xf32, #tpu.memory_space<hbm>> -> memref<64x512xf32, #tpu.memory_space<hbm>>
      %dma_start3A_127 = arith.constant 0 : i32
      %dma_start3A_128 = tpu.memref_slice %arg3[%add3A_80, %dma_start3A_127] : memref<8192x512xf32, #tpu.memory_space<hbm>> -> memref<64x512xf32, #tpu.memory_space<hbm>>
      tpu.enqueue_dma source(%dma_start3A_128 : memref<64x512xf32, #tpu.memory_space<hbm>>) target(%arg9 : memref<64x512xf32, #tpu.memory_space<vmem>>) target_semaphore(%run_scoped3A_124 : memref<!tpu.dma_semaphore, #tpu.memory_space<semaphore_mem>>)
      %dma_wait3A_129 = arith.constant 0 : i32
      %dma_wait3A_130 = tpu.memref_slice %arg3[%add3A_80, %dma_wait3A_129] : memref<8192x512xf32, #tpu.memory_space<hbm>> -> memref<64x512xf32, #tpu.memory_space<hbm>>
      %dma_wait3A_131 = arith.constant 0 : i32
      %dma_wait3A_132 = tpu.memref_slice %arg3[%add3A_80, %dma_wait3A_131] : memref<8192x512xf32, #tpu.memory_space<hbm>> -> memref<64x512xf32, #tpu.memory_space<hbm>>
      tpu.wait_dma2 semaphore(%run_scoped3A_124 : memref<!tpu.dma_semaphore, #tpu.memory_space<semaphore_mem>>) src(%dma_wait3A_132 : memref<64x512xf32, #tpu.memory_space<hbm>>) dst(%arg9 : memref<64x512xf32, #tpu.memory_space<vmem>>)
      tpu.yield
    }) : () -> ()
    %dma_start3A_103 = arith.constant 3 : i32
    %dma_start3A_104 = arith.constant 0 : i32
    %dma_start3A_105 = tpu.memref_slice %arg7[%dma_start3A_103, %dma_start3A_104] : memref<4x64xi32, #tpu.memory_space<vmem>> -> memref<1x64xi32, #tpu.memory_space<vmem>>
    %dma_start3A_106 = tpu.memref_squeeze %dma_start3A_105 : memref<1x64xi32, #tpu.memory_space<vmem>> -> memref<64xi32, #tpu.memory_space<vmem>>
    %dma_start3A_107 = arith.constant 0 : i32
    %dma_start3A_108 = arith.constant 0 : i32
    %dma_start3A_109 = tpu.memref_slice %arg6[%dma_start3A_107, %dma_start3A_108] : memref<12288x512xf32, #tpu.memory_space<hbm>> -> memref<12288x512xf32, #tpu.memory_space<hbm>>
    tpu.enqueue_indirect_dma source(%arg9 : memref<64x512xf32, #tpu.memory_space<vmem>>) target(%dma_start3A_109 : memref<12288x512xf32, #tpu.memory_space<hbm>>) offsets(%dma_start3A_106 : memref<64xi32, #tpu.memory_space<vmem>>) semaphore(%arg11 : memref<!tpu.dma_semaphore, #tpu.memory_space<semaphore_mem>>)
    %dma_wait3A_110 = arith.constant 3 : i32
    %dma_wait3A_111 = arith.constant 0 : i32
    %dma_wait3A_112 = tpu.memref_slice %arg7[%dma_wait3A_110, %dma_wait3A_111] : memref<4x64xi32, #tpu.memory_space<vmem>> -> memref<1x64xi32, #tpu.memory_space<vmem>>
    %dma_wait3A_113 = tpu.memref_squeeze %dma_wait3A_112 : memref<1x64xi32, #tpu.memory_space<vmem>> -> memref<64xi32, #tpu.memory_space<vmem>>
    %dma_wait3A_114 = arith.constant 0 : i32
    %dma_wait3A_115 = arith.constant 0 : i32
    %dma_wait3A_116 = tpu.memref_slice %arg5[%dma_wait3A_114, %dma_wait3A_115] : memref<12288x512xf32, #tpu.memory_space<hbm>> -> memref<12288x512xf32, #tpu.memory_space<hbm>>
    tpu.wait_indirect_dma semaphore(%arg10 : memref<!tpu.dma_semaphore, #tpu.memory_space<semaphore_mem>>) src(%arg8 : memref<64x512xf32, #tpu.memory_space<vmem>>) dst(%dma_wait3A_116 : memref<12288x512xf32, #tpu.memory_space<hbm>>)
    %dma_wait3A_117 = arith.constant 3 : i32
    %dma_wait3A_118 = arith.constant 0 : i32
    %dma_wait3A_119 = tpu.memref_slice %arg7[%dma_wait3A_117, %dma_wait3A_118] : memref<4x64xi32, #tpu.memory_space<vmem>> -> memref<1x64xi32, #tpu.memory_space<vmem>>
    %dma_wait3A_120 = tpu.memref_squeeze %dma_wait3A_119 : memref<1x64xi32, #tpu.memory_space<vmem>> -> memref<64xi32, #tpu.memory_space<vmem>>
    %dma_wait3A_121 = arith.constant 0 : i32
    %dma_wait3A_122 = arith.constant 0 : i32
    %dma_wait3A_123 = tpu.memref_slice %arg6[%dma_wait3A_121, %dma_wait3A_122] : memref<12288x512xf32, #tpu.memory_space<hbm>> -> memref<12288x512xf32, #tpu.memory_space<hbm>>
    tpu.wait_indirect_dma semaphore(%arg11 : memref<!tpu.dma_semaphore, #tpu.memory_space<semaphore_mem>>) src(%arg9 : memref<64x512xf32, #tpu.memory_space<vmem>>) dst(%dma_wait3A_123 : memref<12288x512xf32, #tpu.memory_space<hbm>>)
    return
  }
}

module attributes {stable_mosaic.version = 14 : i64} {
  func.func @_route_body(%arg0: memref<64x128xi32, #tpu.memory_space<vmem>>, %arg1: memref<64x128xi32, #tpu.memory_space<vmem>>, %arg2: memref<1x128xi32, #tpu.memory_space<vmem>>) attributes {dimension_semantics = [], scalar_prefetch = 0 : i64, scratch_operands = 0 : i64, tpu.core_type = #tpu.core_type<tc>} {
    %get3A = arith.constant 0 : index
    %get3A_0 = arith.constant 0 : index
    %get3A_1 = vector.load %arg0[%get3A, %get3A_0] : memref<64x128xi32, #tpu.memory_space<vmem>>, vector<64x128xi32>
    %iota3A = tpu.iota {dimensions = array<i32: 0>} : vector<128x128xi32>
    %iota3A_2 = tpu.iota {dimensions = array<i32: 1>} : vector<128x128xi32>
    %lt3A = arith.cmpi slt, %iota3A, %iota3A_2 : vector<128x128xi32>
    %convert_element_type3A = arith.extui %lt3A : vector<128x128xi1> to vector<128x128xi32>
    %convert_element_type3A_3 = arith.sitofp %convert_element_type3A : vector<128x128xi32> to vector<128x128xf32>
    %iota3A_4 = tpu.iota {dimensions = array<i32: 1>} : vector<64x64xi32>
    %iota3A_5 = tpu.iota {dimensions = array<i32: 0>} : vector<64x64xi32>
    %lt3A_6 = arith.cmpi slt, %iota3A_4, %iota3A_5 : vector<64x64xi32>
    %convert_element_type3A_7 = arith.extui %lt3A_6 : vector<64x64xi1> to vector<64x64xi32>
    %convert_element_type3A_8 = arith.sitofp %convert_element_type3A_7 : vector<64x64xi32> to vector<64x64xf32>
    %iota3A_9 = tpu.iota {dimensions = array<i32: 1>} : vector<1x128xi32>
    %broadcast_in_dim3A = arith.constant 0.000000e+00 : f32
    %broadcast_in_dim3A_10 = vector.broadcast %broadcast_in_dim3A : f32 to vector<64x128xf32>
    %broadcast_in_dim3A_11 = arith.constant 0 : i32
    %broadcast_in_dim3A_12 = vector.broadcast %broadcast_in_dim3A_11 : i32 to vector<1x128xi32>
    %eq3A = arith.constant 0 : i32
    %eq3A_13 = vector.broadcast %eq3A : i32 to vector<64x128xi32>
    %eq3A_14 = arith.cmpi eq, %get3A_1, %eq3A_13 : vector<64x128xi32>
    %convert_element_type3A_15 = arith.extui %eq3A_14 : vector<64x128xi1> to vector<64x128xi32>
    %convert_element_type3A_16 = arith.sitofp %convert_element_type3A_15 : vector<64x128xi32> to vector<64x128xf32>
    %dot_general3A = arith.constant dense<0.000000e+00> : vector<64x128xf32>
    %dot_general3A_17 = tpu.matmul %convert_element_type3A_16, %convert_element_type3A_3, %dot_general3A {dimension_numbers = #tpu.dot_dimension_numbers<[1], [0], [0], [1], [0, 0, 1, 1], [], []>, transpose_lhs_hint = false} : vector<64x128xf32>, vector<128x128xf32>, vector<64x128xf32> -> vector<64x128xf32>
    %reduce_sum3A = arith.constant dense<0.000000e+00> : vector<64xf32>
    %reduce_sum3A_18 = vector.multi_reduction <add>, %convert_element_type3A_16, %reduce_sum3A [1] : vector<64x128xf32> to vector<64xf32>
    %broadcast_in_dim3A_19 = vector.shape_cast %reduce_sum3A_18 : vector<64xf32> to vector<64x1xf32>
    %dot_general3A_20 = arith.constant dense<0.000000e+00> : vector<64x1xf32>
    %dot_general3A_21 = tpu.matmul %convert_element_type3A_8, %broadcast_in_dim3A_19, %dot_general3A_20 {dimension_numbers = #tpu.dot_dimension_numbers<[1], [0], [0], [1], [0, 0, 1, 1], [], []>, transpose_lhs_hint = false} : vector<64x64xf32>, vector<64x1xf32>, vector<64x1xf32> -> vector<64x1xf32>
    %mul3A = arith.constant 0.000000e+00 : f32
    %mul3A_22 = arith.constant 5.120000e+02 : f32
    %mul3A_23 = arith.mulf %mul3A, %mul3A_22 : f32
    %add3A = vector.broadcast %mul3A_23 : f32 to vector<64x1xf32>
    %add3A_24 = arith.addf %add3A, %dot_general3A_21 : vector<64x1xf32>
    %add3A_25 = vector.broadcast %add3A_24 : vector<64x1xf32> to vector<64x128xf32>
    %add3A_26 = arith.addf %add3A_25, %dot_general3A_17 : vector<64x128xf32>
    %mul3A_27 = arith.mulf %convert_element_type3A_16, %add3A_26 : vector<64x128xf32>
    %add3A_28 = arith.addf %broadcast_in_dim3A_10, %mul3A_27 : vector<64x128xf32>
    %reduce_sum3A_29 = vector.shape_cast %broadcast_in_dim3A_19 : vector<64x1xf32> to vector<1x64x1xf32>
    %reduce_sum3A_30 = arith.constant dense<0.000000e+00> : vector<1xf32>
    %reduce_sum3A_31 = vector.multi_reduction <add>, %reduce_sum3A_29, %reduce_sum3A_30 [1, 2] : vector<1x64x1xf32> to vector<1xf32>
    %reduce_sum3A_32 = vector.shape_cast %reduce_sum3A_31 : vector<1xf32> to vector<1x1x1xf32>
    %reduce_sum3A_33 = vector.extract %reduce_sum3A_32[0, 0, 0] : f32 from vector<1x1x1xf32>
    %add3A_34 = arith.constant 5.110000e+02 : f32
    %add3A_35 = arith.addf %reduce_sum3A_33, %add3A_34 : f32
    %mul3A_36 = arith.constant 0.001953125 : f32
    %mul3A_37 = arith.mulf %add3A_35, %mul3A_36 : f32
    %floor3A = math.floor %mul3A_37 : f32
    %add3A_38 = arith.constant 0.000000e+00 : f32
    %add3A_39 = arith.addf %add3A_38, %floor3A : f32
    %eq3A_40 = arith.constant 1 : i32
    %eq3A_41 = vector.broadcast %eq3A_40 : i32 to vector<64x128xi32>
    %eq3A_42 = arith.cmpi eq, %get3A_1, %eq3A_41 : vector<64x128xi32>
    %convert_element_type3A_43 = arith.extui %eq3A_42 : vector<64x128xi1> to vector<64x128xi32>
    %convert_element_type3A_44 = arith.sitofp %convert_element_type3A_43 : vector<64x128xi32> to vector<64x128xf32>
    %dot_general3A_45 = arith.constant dense<0.000000e+00> : vector<64x128xf32>
    %dot_general3A_46 = tpu.matmul %convert_element_type3A_44, %convert_element_type3A_3, %dot_general3A_45 {dimension_numbers = #tpu.dot_dimension_numbers<[1], [0], [0], [1], [0, 0, 1, 1], [], []>, transpose_lhs_hint = false} : vector<64x128xf32>, vector<128x128xf32>, vector<64x128xf32> -> vector<64x128xf32>
    %reduce_sum3A_47 = arith.constant dense<0.000000e+00> : vector<64xf32>
    %reduce_sum3A_48 = vector.multi_reduction <add>, %convert_element_type3A_44, %reduce_sum3A_47 [1] : vector<64x128xf32> to vector<64xf32>
    %broadcast_in_dim3A_49 = vector.shape_cast %reduce_sum3A_48 : vector<64xf32> to vector<64x1xf32>
    %dot_general3A_50 = arith.constant dense<0.000000e+00> : vector<64x1xf32>
    %dot_general3A_51 = tpu.matmul %convert_element_type3A_8, %broadcast_in_dim3A_49, %dot_general3A_50 {dimension_numbers = #tpu.dot_dimension_numbers<[1], [0], [0], [1], [0, 0, 1, 1], [], []>, transpose_lhs_hint = false} : vector<64x64xf32>, vector<64x1xf32>, vector<64x1xf32> -> vector<64x1xf32>
    %convert_element_type3A_52 = arith.sitofp %iota3A_9 : vector<1x128xi32> to vector<1x128xf32>
    %ge3A = vector.broadcast %add3A_39 : f32 to vector<1x128xf32>
    %ge3A_53 = arith.cmpf oge, %convert_element_type3A_52, %ge3A : vector<1x128xf32>
    %convert_element_type3A_54 = arith.extui %ge3A_53 : vector<1x128xi1> to vector<1x128xi32>
    %add3A_55 = arith.addi %broadcast_in_dim3A_12, %convert_element_type3A_54 : vector<1x128xi32>
    %mul3A_56 = arith.constant 5.120000e+02 : f32
    %mul3A_57 = arith.mulf %add3A_39, %mul3A_56 : f32
    %add3A_58 = vector.broadcast %mul3A_57 : f32 to vector<64x1xf32>
    %add3A_59 = arith.addf %add3A_58, %dot_general3A_51 : vector<64x1xf32>
    %add3A_60 = vector.broadcast %add3A_59 : vector<64x1xf32> to vector<64x128xf32>
    %add3A_61 = arith.addf %add3A_60, %dot_general3A_46 : vector<64x128xf32>
    %mul3A_62 = arith.mulf %convert_element_type3A_44, %add3A_61 : vector<64x128xf32>
    %add3A_63 = arith.addf %add3A_28, %mul3A_62 : vector<64x128xf32>
    %reduce_sum3A_64 = vector.shape_cast %broadcast_in_dim3A_49 : vector<64x1xf32> to vector<1x64x1xf32>
    %reduce_sum3A_65 = arith.constant dense<0.000000e+00> : vector<1xf32>
    %reduce_sum3A_66 = vector.multi_reduction <add>, %reduce_sum3A_64, %reduce_sum3A_65 [1, 2] : vector<1x64x1xf32> to vector<1xf32>
    %reduce_sum3A_67 = vector.shape_cast %reduce_sum3A_66 : vector<1xf32> to vector<1x1x1xf32>
    %reduce_sum3A_68 = vector.extract %reduce_sum3A_67[0, 0, 0] : f32 from vector<1x1x1xf32>
    %add3A_69 = arith.constant 5.110000e+02 : f32
    %add3A_70 = arith.addf %reduce_sum3A_68, %add3A_69 : f32
    %mul3A_71 = arith.constant 0.001953125 : f32
    %mul3A_72 = arith.mulf %add3A_70, %mul3A_71 : f32
    %floor3A_73 = math.floor %mul3A_72 : f32
    %add3A_74 = arith.addf %add3A_39, %floor3A_73 : f32
    %eq3A_75 = arith.constant 2 : i32
    %eq3A_76 = vector.broadcast %eq3A_75 : i32 to vector<64x128xi32>
    %eq3A_77 = arith.cmpi eq, %get3A_1, %eq3A_76 : vector<64x128xi32>
    %convert_element_type3A_78 = arith.extui %eq3A_77 : vector<64x128xi1> to vector<64x128xi32>
    %convert_element_type3A_79 = arith.sitofp %convert_element_type3A_78 : vector<64x128xi32> to vector<64x128xf32>
    %dot_general3A_80 = arith.constant dense<0.000000e+00> : vector<64x128xf32>
    %dot_general3A_81 = tpu.matmul %convert_element_type3A_79, %convert_element_type3A_3, %dot_general3A_80 {dimension_numbers = #tpu.dot_dimension_numbers<[1], [0], [0], [1], [0, 0, 1, 1], [], []>, transpose_lhs_hint = false} : vector<64x128xf32>, vector<128x128xf32>, vector<64x128xf32> -> vector<64x128xf32>
    %reduce_sum3A_82 = arith.constant dense<0.000000e+00> : vector<64xf32>
    %reduce_sum3A_83 = vector.multi_reduction <add>, %convert_element_type3A_79, %reduce_sum3A_82 [1] : vector<64x128xf32> to vector<64xf32>
    %broadcast_in_dim3A_84 = vector.shape_cast %reduce_sum3A_83 : vector<64xf32> to vector<64x1xf32>
    %dot_general3A_85 = arith.constant dense<0.000000e+00> : vector<64x1xf32>
    %dot_general3A_86 = tpu.matmul %convert_element_type3A_8, %broadcast_in_dim3A_84, %dot_general3A_85 {dimension_numbers = #tpu.dot_dimension_numbers<[1], [0], [0], [1], [0, 0, 1, 1], [], []>, transpose_lhs_hint = false} : vector<64x64xf32>, vector<64x1xf32>, vector<64x1xf32> -> vector<64x1xf32>
    %convert_element_type3A_87 = arith.sitofp %iota3A_9 : vector<1x128xi32> to vector<1x128xf32>
    %ge3A_88 = vector.broadcast %add3A_74 : f32 to vector<1x128xf32>
    %ge3A_89 = arith.cmpf oge, %convert_element_type3A_87, %ge3A_88 : vector<1x128xf32>
    %convert_element_type3A_90 = arith.extui %ge3A_89 : vector<1x128xi1> to vector<1x128xi32>
    %add3A_91 = arith.addi %add3A_55, %convert_element_type3A_90 : vector<1x128xi32>
    %mul3A_92 = arith.constant 5.120000e+02 : f32
    %mul3A_93 = arith.mulf %add3A_74, %mul3A_92 : f32
    %add3A_94 = vector.broadcast %mul3A_93 : f32 to vector<64x1xf32>
    %add3A_95 = arith.addf %add3A_94, %dot_general3A_86 : vector<64x1xf32>
    %add3A_96 = vector.broadcast %add3A_95 : vector<64x1xf32> to vector<64x128xf32>
    %add3A_97 = arith.addf %add3A_96, %dot_general3A_81 : vector<64x128xf32>
    %mul3A_98 = arith.mulf %convert_element_type3A_79, %add3A_97 : vector<64x128xf32>
    %add3A_99 = arith.addf %add3A_63, %mul3A_98 : vector<64x128xf32>
    %reduce_sum3A_100 = vector.shape_cast %broadcast_in_dim3A_84 : vector<64x1xf32> to vector<1x64x1xf32>
    %reduce_sum3A_101 = arith.constant dense<0.000000e+00> : vector<1xf32>
    %reduce_sum3A_102 = vector.multi_reduction <add>, %reduce_sum3A_100, %reduce_sum3A_101 [1, 2] : vector<1x64x1xf32> to vector<1xf32>
    %reduce_sum3A_103 = vector.shape_cast %reduce_sum3A_102 : vector<1xf32> to vector<1x1x1xf32>
    %reduce_sum3A_104 = vector.extract %reduce_sum3A_103[0, 0, 0] : f32 from vector<1x1x1xf32>
    %add3A_105 = arith.constant 5.110000e+02 : f32
    %add3A_106 = arith.addf %reduce_sum3A_104, %add3A_105 : f32
    %mul3A_107 = arith.constant 0.001953125 : f32
    %mul3A_108 = arith.mulf %add3A_106, %mul3A_107 : f32
    %floor3A_109 = math.floor %mul3A_108 : f32
    %add3A_110 = arith.addf %add3A_74, %floor3A_109 : f32
    %eq3A_111 = arith.constant 3 : i32
    %eq3A_112 = vector.broadcast %eq3A_111 : i32 to vector<64x128xi32>
    %eq3A_113 = arith.cmpi eq, %get3A_1, %eq3A_112 : vector<64x128xi32>
    %convert_element_type3A_114 = arith.extui %eq3A_113 : vector<64x128xi1> to vector<64x128xi32>
    %convert_element_type3A_115 = arith.sitofp %convert_element_type3A_114 : vector<64x128xi32> to vector<64x128xf32>
    %dot_general3A_116 = arith.constant dense<0.000000e+00> : vector<64x128xf32>
    %dot_general3A_117 = tpu.matmul %convert_element_type3A_115, %convert_element_type3A_3, %dot_general3A_116 {dimension_numbers = #tpu.dot_dimension_numbers<[1], [0], [0], [1], [0, 0, 1, 1], [], []>, transpose_lhs_hint = false} : vector<64x128xf32>, vector<128x128xf32>, vector<64x128xf32> -> vector<64x128xf32>
    %reduce_sum3A_118 = arith.constant dense<0.000000e+00> : vector<64xf32>
    %reduce_sum3A_119 = vector.multi_reduction <add>, %convert_element_type3A_115, %reduce_sum3A_118 [1] : vector<64x128xf32> to vector<64xf32>
    %broadcast_in_dim3A_120 = vector.shape_cast %reduce_sum3A_119 : vector<64xf32> to vector<64x1xf32>
    %dot_general3A_121 = arith.constant dense<0.000000e+00> : vector<64x1xf32>
    %dot_general3A_122 = tpu.matmul %convert_element_type3A_8, %broadcast_in_dim3A_120, %dot_general3A_121 {dimension_numbers = #tpu.dot_dimension_numbers<[1], [0], [0], [1], [0, 0, 1, 1], [], []>, transpose_lhs_hint = false} : vector<64x64xf32>, vector<64x1xf32>, vector<64x1xf32> -> vector<64x1xf32>
    %convert_element_type3A_123 = arith.sitofp %iota3A_9 : vector<1x128xi32> to vector<1x128xf32>
    %ge3A_124 = vector.broadcast %add3A_110 : f32 to vector<1x128xf32>
    %ge3A_125 = arith.cmpf oge, %convert_element_type3A_123, %ge3A_124 : vector<1x128xf32>
    %convert_element_type3A_126 = arith.extui %ge3A_125 : vector<1x128xi1> to vector<1x128xi32>
    %add3A_127 = arith.addi %add3A_91, %convert_element_type3A_126 : vector<1x128xi32>
    %mul3A_128 = arith.constant 5.120000e+02 : f32
    %mul3A_129 = arith.mulf %add3A_110, %mul3A_128 : f32
    %add3A_130 = vector.broadcast %mul3A_129 : f32 to vector<64x1xf32>
    %add3A_131 = arith.addf %add3A_130, %dot_general3A_122 : vector<64x1xf32>
    %add3A_132 = vector.broadcast %add3A_131 : vector<64x1xf32> to vector<64x128xf32>
    %add3A_133 = arith.addf %add3A_132, %dot_general3A_117 : vector<64x128xf32>
    %mul3A_134 = arith.mulf %convert_element_type3A_115, %add3A_133 : vector<64x128xf32>
    %add3A_135 = arith.addf %add3A_99, %mul3A_134 : vector<64x128xf32>
    %reduce_sum3A_136 = vector.shape_cast %broadcast_in_dim3A_120 : vector<64x1xf32> to vector<1x64x1xf32>
    %reduce_sum3A_137 = arith.constant dense<0.000000e+00> : vector<1xf32>
    %reduce_sum3A_138 = vector.multi_reduction <add>, %reduce_sum3A_136, %reduce_sum3A_137 [1, 2] : vector<1x64x1xf32> to vector<1xf32>
    %reduce_sum3A_139 = vector.shape_cast %reduce_sum3A_138 : vector<1xf32> to vector<1x1x1xf32>
    %reduce_sum3A_140 = vector.extract %reduce_sum3A_139[0, 0, 0] : f32 from vector<1x1x1xf32>
    %add3A_141 = arith.constant 5.110000e+02 : f32
    %add3A_142 = arith.addf %reduce_sum3A_140, %add3A_141 : f32
    %mul3A_143 = arith.constant 0.001953125 : f32
    %mul3A_144 = arith.mulf %add3A_142, %mul3A_143 : f32
    %floor3A_145 = math.floor %mul3A_144 : f32
    %add3A_146 = arith.addf %add3A_110, %floor3A_145 : f32
    %eq3A_147 = arith.constant 4 : i32
    %eq3A_148 = vector.broadcast %eq3A_147 : i32 to vector<64x128xi32>
    %eq3A_149 = arith.cmpi eq, %get3A_1, %eq3A_148 : vector<64x128xi32>
    %convert_element_type3A_150 = arith.extui %eq3A_149 : vector<64x128xi1> to vector<64x128xi32>
    %convert_element_type3A_151 = arith.sitofp %convert_element_type3A_150 : vector<64x128xi32> to vector<64x128xf32>
    %dot_general3A_152 = arith.constant dense<0.000000e+00> : vector<64x128xf32>
    %dot_general3A_153 = tpu.matmul %convert_element_type3A_151, %convert_element_type3A_3, %dot_general3A_152 {dimension_numbers = #tpu.dot_dimension_numbers<[1], [0], [0], [1], [0, 0, 1, 1], [], []>, transpose_lhs_hint = false} : vector<64x128xf32>, vector<128x128xf32>, vector<64x128xf32> -> vector<64x128xf32>
    %reduce_sum3A_154 = arith.constant dense<0.000000e+00> : vector<64xf32>
    %reduce_sum3A_155 = vector.multi_reduction <add>, %convert_element_type3A_151, %reduce_sum3A_154 [1] : vector<64x128xf32> to vector<64xf32>
    %broadcast_in_dim3A_156 = vector.shape_cast %reduce_sum3A_155 : vector<64xf32> to vector<64x1xf32>
    %dot_general3A_157 = arith.constant dense<0.000000e+00> : vector<64x1xf32>
    %dot_general3A_158 = tpu.matmul %convert_element_type3A_8, %broadcast_in_dim3A_156, %dot_general3A_157 {dimension_numbers = #tpu.dot_dimension_numbers<[1], [0], [0], [1], [0, 0, 1, 1], [], []>, transpose_lhs_hint = false} : vector<64x64xf32>, vector<64x1xf32>, vector<64x1xf32> -> vector<64x1xf32>
    %convert_element_type3A_159 = arith.sitofp %iota3A_9 : vector<1x128xi32> to vector<1x128xf32>
    %ge3A_160 = vector.broadcast %add3A_146 : f32 to vector<1x128xf32>
    %ge3A_161 = arith.cmpf oge, %convert_element_type3A_159, %ge3A_160 : vector<1x128xf32>
    %convert_element_type3A_162 = arith.extui %ge3A_161 : vector<1x128xi1> to vector<1x128xi32>
    %add3A_163 = arith.addi %add3A_127, %convert_element_type3A_162 : vector<1x128xi32>
    %mul3A_164 = arith.constant 5.120000e+02 : f32
    %mul3A_165 = arith.mulf %add3A_146, %mul3A_164 : f32
    %add3A_166 = vector.broadcast %mul3A_165 : f32 to vector<64x1xf32>
    %add3A_167 = arith.addf %add3A_166, %dot_general3A_158 : vector<64x1xf32>
    %add3A_168 = vector.broadcast %add3A_167 : vector<64x1xf32> to vector<64x128xf32>
    %add3A_169 = arith.addf %add3A_168, %dot_general3A_153 : vector<64x128xf32>
    %mul3A_170 = arith.mulf %convert_element_type3A_151, %add3A_169 : vector<64x128xf32>
    %add3A_171 = arith.addf %add3A_135, %mul3A_170 : vector<64x128xf32>
    %reduce_sum3A_172 = vector.shape_cast %broadcast_in_dim3A_156 : vector<64x1xf32> to vector<1x64x1xf32>
    %reduce_sum3A_173 = arith.constant dense<0.000000e+00> : vector<1xf32>
    %reduce_sum3A_174 = vector.multi_reduction <add>, %reduce_sum3A_172, %reduce_sum3A_173 [1, 2] : vector<1x64x1xf32> to vector<1xf32>
    %reduce_sum3A_175 = vector.shape_cast %reduce_sum3A_174 : vector<1xf32> to vector<1x1x1xf32>
    %reduce_sum3A_176 = vector.extract %reduce_sum3A_175[0, 0, 0] : f32 from vector<1x1x1xf32>
    %add3A_177 = arith.constant 5.110000e+02 : f32
    %add3A_178 = arith.addf %reduce_sum3A_176, %add3A_177 : f32
    %mul3A_179 = arith.constant 0.001953125 : f32
    %mul3A_180 = arith.mulf %add3A_178, %mul3A_179 : f32
    %floor3A_181 = math.floor %mul3A_180 : f32
    %add3A_182 = arith.addf %add3A_146, %floor3A_181 : f32
    %eq3A_183 = arith.constant 5 : i32
    %eq3A_184 = vector.broadcast %eq3A_183 : i32 to vector<64x128xi32>
    %eq3A_185 = arith.cmpi eq, %get3A_1, %eq3A_184 : vector<64x128xi32>
    %convert_element_type3A_186 = arith.extui %eq3A_185 : vector<64x128xi1> to vector<64x128xi32>
    %convert_element_type3A_187 = arith.sitofp %convert_element_type3A_186 : vector<64x128xi32> to vector<64x128xf32>
    %dot_general3A_188 = arith.constant dense<0.000000e+00> : vector<64x128xf32>
    %dot_general3A_189 = tpu.matmul %convert_element_type3A_187, %convert_element_type3A_3, %dot_general3A_188 {dimension_numbers = #tpu.dot_dimension_numbers<[1], [0], [0], [1], [0, 0, 1, 1], [], []>, transpose_lhs_hint = false} : vector<64x128xf32>, vector<128x128xf32>, vector<64x128xf32> -> vector<64x128xf32>
    %reduce_sum3A_190 = arith.constant dense<0.000000e+00> : vector<64xf32>
    %reduce_sum3A_191 = vector.multi_reduction <add>, %convert_element_type3A_187, %reduce_sum3A_190 [1] : vector<64x128xf32> to vector<64xf32>
    %broadcast_in_dim3A_192 = vector.shape_cast %reduce_sum3A_191 : vector<64xf32> to vector<64x1xf32>
    %dot_general3A_193 = arith.constant dense<0.000000e+00> : vector<64x1xf32>
    %dot_general3A_194 = tpu.matmul %convert_element_type3A_8, %broadcast_in_dim3A_192, %dot_general3A_193 {dimension_numbers = #tpu.dot_dimension_numbers<[1], [0], [0], [1], [0, 0, 1, 1], [], []>, transpose_lhs_hint = false} : vector<64x64xf32>, vector<64x1xf32>, vector<64x1xf32> -> vector<64x1xf32>
    %convert_element_type3A_195 = arith.sitofp %iota3A_9 : vector<1x128xi32> to vector<1x128xf32>
    %ge3A_196 = vector.broadcast %add3A_182 : f32 to vector<1x128xf32>
    %ge3A_197 = arith.cmpf oge, %convert_element_type3A_195, %ge3A_196 : vector<1x128xf32>
    %convert_element_type3A_198 = arith.extui %ge3A_197 : vector<1x128xi1> to vector<1x128xi32>
    %add3A_199 = arith.addi %add3A_163, %convert_element_type3A_198 : vector<1x128xi32>
    %mul3A_200 = arith.constant 5.120000e+02 : f32
    %mul3A_201 = arith.mulf %add3A_182, %mul3A_200 : f32
    %add3A_202 = vector.broadcast %mul3A_201 : f32 to vector<64x1xf32>
    %add3A_203 = arith.addf %add3A_202, %dot_general3A_194 : vector<64x1xf32>
    %add3A_204 = vector.broadcast %add3A_203 : vector<64x1xf32> to vector<64x128xf32>
    %add3A_205 = arith.addf %add3A_204, %dot_general3A_189 : vector<64x128xf32>
    %mul3A_206 = arith.mulf %convert_element_type3A_187, %add3A_205 : vector<64x128xf32>
    %add3A_207 = arith.addf %add3A_171, %mul3A_206 : vector<64x128xf32>
    %reduce_sum3A_208 = vector.shape_cast %broadcast_in_dim3A_192 : vector<64x1xf32> to vector<1x64x1xf32>
    %reduce_sum3A_209 = arith.constant dense<0.000000e+00> : vector<1xf32>
    %reduce_sum3A_210 = vector.multi_reduction <add>, %reduce_sum3A_208, %reduce_sum3A_209 [1, 2] : vector<1x64x1xf32> to vector<1xf32>
    %reduce_sum3A_211 = vector.shape_cast %reduce_sum3A_210 : vector<1xf32> to vector<1x1x1xf32>
    %reduce_sum3A_212 = vector.extract %reduce_sum3A_211[0, 0, 0] : f32 from vector<1x1x1xf32>
    %add3A_213 = arith.constant 5.110000e+02 : f32
    %add3A_214 = arith.addf %reduce_sum3A_212, %add3A_213 : f32
    %mul3A_215 = arith.constant 0.001953125 : f32
    %mul3A_216 = arith.mulf %add3A_214, %mul3A_215 : f32
    %floor3A_217 = math.floor %mul3A_216 : f32
    %add3A_218 = arith.addf %add3A_182, %floor3A_217 : f32
    %eq3A_219 = arith.constant 6 : i32
    %eq3A_220 = vector.broadcast %eq3A_219 : i32 to vector<64x128xi32>
    %eq3A_221 = arith.cmpi eq, %get3A_1, %eq3A_220 : vector<64x128xi32>
    %convert_element_type3A_222 = arith.extui %eq3A_221 : vector<64x128xi1> to vector<64x128xi32>
    %convert_element_type3A_223 = arith.sitofp %convert_element_type3A_222 : vector<64x128xi32> to vector<64x128xf32>
    %dot_general3A_224 = arith.constant dense<0.000000e+00> : vector<64x128xf32>
    %dot_general3A_225 = tpu.matmul %convert_element_type3A_223, %convert_element_type3A_3, %dot_general3A_224 {dimension_numbers = #tpu.dot_dimension_numbers<[1], [0], [0], [1], [0, 0, 1, 1], [], []>, transpose_lhs_hint = false} : vector<64x128xf32>, vector<128x128xf32>, vector<64x128xf32> -> vector<64x128xf32>
    %reduce_sum3A_226 = arith.constant dense<0.000000e+00> : vector<64xf32>
    %reduce_sum3A_227 = vector.multi_reduction <add>, %convert_element_type3A_223, %reduce_sum3A_226 [1] : vector<64x128xf32> to vector<64xf32>
    %broadcast_in_dim3A_228 = vector.shape_cast %reduce_sum3A_227 : vector<64xf32> to vector<64x1xf32>
    %dot_general3A_229 = arith.constant dense<0.000000e+00> : vector<64x1xf32>
    %dot_general3A_230 = tpu.matmul %convert_element_type3A_8, %broadcast_in_dim3A_228, %dot_general3A_229 {dimension_numbers = #tpu.dot_dimension_numbers<[1], [0], [0], [1], [0, 0, 1, 1], [], []>, transpose_lhs_hint = false} : vector<64x64xf32>, vector<64x1xf32>, vector<64x1xf32> -> vector<64x1xf32>
    %convert_element_type3A_231 = arith.sitofp %iota3A_9 : vector<1x128xi32> to vector<1x128xf32>
    %ge3A_232 = vector.broadcast %add3A_218 : f32 to vector<1x128xf32>
    %ge3A_233 = arith.cmpf oge, %convert_element_type3A_231, %ge3A_232 : vector<1x128xf32>
    %convert_element_type3A_234 = arith.extui %ge3A_233 : vector<1x128xi1> to vector<1x128xi32>
    %add3A_235 = arith.addi %add3A_199, %convert_element_type3A_234 : vector<1x128xi32>
    %mul3A_236 = arith.constant 5.120000e+02 : f32
    %mul3A_237 = arith.mulf %add3A_218, %mul3A_236 : f32
    %add3A_238 = vector.broadcast %mul3A_237 : f32 to vector<64x1xf32>
    %add3A_239 = arith.addf %add3A_238, %dot_general3A_230 : vector<64x1xf32>
    %add3A_240 = vector.broadcast %add3A_239 : vector<64x1xf32> to vector<64x128xf32>
    %add3A_241 = arith.addf %add3A_240, %dot_general3A_225 : vector<64x128xf32>
    %mul3A_242 = arith.mulf %convert_element_type3A_223, %add3A_241 : vector<64x128xf32>
    %add3A_243 = arith.addf %add3A_207, %mul3A_242 : vector<64x128xf32>
    %reduce_sum3A_244 = vector.shape_cast %broadcast_in_dim3A_228 : vector<64x1xf32> to vector<1x64x1xf32>
    %reduce_sum3A_245 = arith.constant dense<0.000000e+00> : vector<1xf32>
    %reduce_sum3A_246 = vector.multi_reduction <add>, %reduce_sum3A_244, %reduce_sum3A_245 [1, 2] : vector<1x64x1xf32> to vector<1xf32>
    %reduce_sum3A_247 = vector.shape_cast %reduce_sum3A_246 : vector<1xf32> to vector<1x1x1xf32>
    %reduce_sum3A_248 = vector.extract %reduce_sum3A_247[0, 0, 0] : f32 from vector<1x1x1xf32>
    %add3A_249 = arith.constant 5.110000e+02 : f32
    %add3A_250 = arith.addf %reduce_sum3A_248, %add3A_249 : f32
    %mul3A_251 = arith.constant 0.001953125 : f32
    %mul3A_252 = arith.mulf %add3A_250, %mul3A_251 : f32
    %floor3A_253 = math.floor %mul3A_252 : f32
    %add3A_254 = arith.addf %add3A_218, %floor3A_253 : f32
    %eq3A_255 = arith.constant 7 : i32
    %eq3A_256 = vector.broadcast %eq3A_255 : i32 to vector<64x128xi32>
    %eq3A_257 = arith.cmpi eq, %get3A_1, %eq3A_256 : vector<64x128xi32>
    %convert_element_type3A_258 = arith.extui %eq3A_257 : vector<64x128xi1> to vector<64x128xi32>
    %convert_element_type3A_259 = arith.sitofp %convert_element_type3A_258 : vector<64x128xi32> to vector<64x128xf32>
    %dot_general3A_260 = arith.constant dense<0.000000e+00> : vector<64x128xf32>
    %dot_general3A_261 = tpu.matmul %convert_element_type3A_259, %convert_element_type3A_3, %dot_general3A_260 {dimension_numbers = #tpu.dot_dimension_numbers<[1], [0], [0], [1], [0, 0, 1, 1], [], []>, transpose_lhs_hint = false} : vector<64x128xf32>, vector<128x128xf32>, vector<64x128xf32> -> vector<64x128xf32>
    %reduce_sum3A_262 = arith.constant dense<0.000000e+00> : vector<64xf32>
    %reduce_sum3A_263 = vector.multi_reduction <add>, %convert_element_type3A_259, %reduce_sum3A_262 [1] : vector<64x128xf32> to vector<64xf32>
    %broadcast_in_dim3A_264 = vector.shape_cast %reduce_sum3A_263 : vector<64xf32> to vector<64x1xf32>
    %dot_general3A_265 = arith.constant dense<0.000000e+00> : vector<64x1xf32>
    %dot_general3A_266 = tpu.matmul %convert_element_type3A_8, %broadcast_in_dim3A_264, %dot_general3A_265 {dimension_numbers = #tpu.dot_dimension_numbers<[1], [0], [0], [1], [0, 0, 1, 1], [], []>, transpose_lhs_hint = false} : vector<64x64xf32>, vector<64x1xf32>, vector<64x1xf32> -> vector<64x1xf32>
    %convert_element_type3A_267 = arith.sitofp %iota3A_9 : vector<1x128xi32> to vector<1x128xf32>
    %ge3A_268 = vector.broadcast %add3A_254 : f32 to vector<1x128xf32>
    %ge3A_269 = arith.cmpf oge, %convert_element_type3A_267, %ge3A_268 : vector<1x128xf32>
    %convert_element_type3A_270 = arith.extui %ge3A_269 : vector<1x128xi1> to vector<1x128xi32>
    %add3A_271 = arith.addi %add3A_235, %convert_element_type3A_270 : vector<1x128xi32>
    %mul3A_272 = arith.constant 5.120000e+02 : f32
    %mul3A_273 = arith.mulf %add3A_254, %mul3A_272 : f32
    %add3A_274 = vector.broadcast %mul3A_273 : f32 to vector<64x1xf32>
    %add3A_275 = arith.addf %add3A_274, %dot_general3A_266 : vector<64x1xf32>
    %add3A_276 = vector.broadcast %add3A_275 : vector<64x1xf32> to vector<64x128xf32>
    %add3A_277 = arith.addf %add3A_276, %dot_general3A_261 : vector<64x128xf32>
    %mul3A_278 = arith.mulf %convert_element_type3A_259, %add3A_277 : vector<64x128xf32>
    %add3A_279 = arith.addf %add3A_243, %mul3A_278 : vector<64x128xf32>
    %convert_element_type3A_280 = arith.fptosi %add3A_279 : vector<64x128xf32> to vector<64x128xi32>
    %swap3A = arith.constant 0 : index
    %swap3A_281 = arith.constant 0 : index
    %swap3A_282 = vector.load %arg1[%swap3A, %swap3A_281] : memref<64x128xi32, #tpu.memory_space<vmem>>, vector<64x128xi32>
    tpu.vector_store %arg1[%swap3A, %swap3A_281], %convert_element_type3A_280 {strides = array<i32>} : memref<64x128xi32, #tpu.memory_space<vmem>>, vector<64x128xi32>,
    %swap3A_283 = arith.constant 0 : index
    %swap3A_284 = arith.constant 0 : index
    %swap3A_285 = vector.load %arg2[%swap3A_283, %swap3A_284] : memref<1x128xi32, #tpu.memory_space<vmem>>, vector<1x128xi32>
    tpu.vector_store %arg2[%swap3A_283, %swap3A_284], %add3A_271 {strides = array<i32>} : memref<1x128xi32, #tpu.memory_space<vmem>>, vector<1x128xi32>,
    return
  }
}

module attributes {stable_mosaic.version = 14 : i64} {
  func.func @_group_body(%arg0: i32, %arg1: memref<24xi32, #tpu.memory_space<smem>>, %arg2: memref<512x512xf32, #tpu.memory_space<vmem>>, %arg3: memref<512x512xf32, #tpu.memory_space<vmem>>, %arg4: memref<8x512x512xbf16, #tpu.memory_space<vmem>>, %arg5: memref<8x512x512xbf16, #tpu.memory_space<vmem>>, %arg6: memref<8x512xf32, #tpu.memory_space<vmem>>, %arg7: memref<8x512x256xbf16, #tpu.memory_space<vmem>>, %arg8: memref<8x256xf32, #tpu.memory_space<vmem>>, %arg9: memref<512x128xi32, #tpu.memory_space<vmem>>) attributes {dimension_semantics = [#tpu.dimension_semantics<arbitrary>], iteration_bounds = array<i64: 24>, scalar_prefetch = 1 : i64, scratch_operands = 0 : i64, tpu.core_type = #tpu.core_type<tc>, window_params = [{transform_indices = @transform_0, window_bounds = array<i64: 512, 512>}, {transform_indices = @transform_1, window_bounds = array<i64: 512, 512>}, {pipeline_mode = #tpu.pipeline_mode<synchronous>, transform_indices = @transform_2, window_bounds = array<i64: 8, 512, 512>}, {pipeline_mode = #tpu.pipeline_mode<synchronous>, transform_indices = @transform_3, window_bounds = array<i64: 8, 512, 512>}, {pipeline_mode = #tpu.pipeline_mode<synchronous>, transform_indices = @transform_4, window_bounds = array<i64: 8, 512>}, {pipeline_mode = #tpu.pipeline_mode<synchronous>, transform_indices = @transform_5, window_bounds = array<i64: 8, 512, 256>}, {pipeline_mode = #tpu.pipeline_mode<synchronous>, transform_indices = @transform_6, window_bounds = array<i64: 8, 256>}, {transform_indices = @transform_7, window_bounds = array<i64: 512, 128>}]} {
    %get3A = arith.index_cast %arg0 : i32 to index
    %get3A_0 = memref.load %arg1[%get3A] : memref<24xi32, #tpu.memory_space<smem>>
    %get3A_1 = arith.constant 0 : index
    %get3A_2 = arith.constant 0 : index
    %get3A_3 = vector.load %arg2[%get3A_1, %get3A_2] : memref<512x512xf32, #tpu.memory_space<vmem>>, vector<512x512xf32>
    %convert_element_type3A = arith.truncf %get3A_3 : vector<512x512xf32> to vector<512x512xbf16>
    %get3A_4 = arith.index_cast %get3A_0 : i32 to index
    %get3A_5 = arith.constant 0 : index
    %get3A_6 = arith.constant 0 : index
    %get3A_7 = vector.load %arg4[%get3A_4, %get3A_5, %get3A_6] : memref<8x512x512xbf16, #tpu.memory_space<vmem>>, vector<1x512x512xbf16>
    %get3A_8 = vector.shape_cast %get3A_7 : vector<1x512x512xbf16> to vector<512x512xbf16>
    %dot_general3A = arith.constant dense<0.000000e+00> : vector<512x512xf32>
    %dot_general3A_9 = tpu.matmul %convert_element_type3A, %get3A_8, %dot_general3A {dimension_numbers = #tpu.dot_dimension_numbers<[1], [0], [0], [1], [0, 0, 1, 1], [], []>, transpose_lhs_hint = false} : vector<512x512xbf16>, vector<512x512xbf16>, vector<512x512xf32> -> vector<512x512xf32>
    %get3A_10 = arith.constant 0 : index
    %get3A_11 = arith.constant 0 : index
    %get3A_12 = vector.load %arg3[%get3A_10, %get3A_11] : memref<512x512xf32, #tpu.memory_space<vmem>>, vector<512x512xf32>
    %convert_element_type3A_13 = arith.truncf %get3A_12 : vector<512x512xf32> to vector<512x512xbf16>
    %get3A_14 = arith.index_cast %get3A_0 : i32 to index
    %get3A_15 = arith.constant 0 : index
    %get3A_16 = arith.constant 0 : index
    %get3A_17 = vector.load %arg5[%get3A_14, %get3A_15, %get3A_16] : memref<8x512x512xbf16, #tpu.memory_space<vmem>>, vector<1x512x512xbf16>
    %get3A_18 = vector.shape_cast %get3A_17 : vector<1x512x512xbf16> to vector<512x512xbf16>
    %dot_general3A_19 = arith.constant dense<0.000000e+00> : vector<512x512xf32>
    %dot_general3A_20 = tpu.matmul %convert_element_type3A_13, %get3A_18, %dot_general3A_19 {dimension_numbers = #tpu.dot_dimension_numbers<[1], [0], [0], [1], [0, 0, 1, 1], [], []>, transpose_lhs_hint = false} : vector<512x512xbf16>, vector<512x512xbf16>, vector<512x512xf32> -> vector<512x512xf32>
    %add3A = arith.addf %dot_general3A_9, %dot_general3A_20 : vector<512x512xf32>
    %get3A_21 = arith.index_cast %get3A_0 : i32 to index
    %get3A_22 = arith.constant 0 : index
    %get3A_23 = vector.load %arg6[%get3A_21, %get3A_22] : memref<8x512xf32, #tpu.memory_space<vmem>>, vector<1x512xf32>
    %get3A_24 = vector.shape_cast %get3A_23 : vector<1x512xf32> to vector<512xf32>
    %broadcast_in_dim3A = vector.shape_cast %get3A_24 : vector<512xf32> to vector<1x512xf32>
    %add3A_25 = vector.broadcast %broadcast_in_dim3A : vector<1x512xf32> to vector<512x512xf32>
    %add3A_26 = arith.addf %add3A, %add3A_25 : vector<512x512xf32>
    %ge3A = arith.constant 0.000000e+00 : f32
    %ge3A_27 = vector.broadcast %ge3A : f32 to vector<512x512xf32>
    %ge3A_28 = arith.cmpf oge, %add3A_26, %ge3A_27 : vector<512x512xf32>
    %mul3A = arith.constant 0.00999999977 : f32
    %mul3A_29 = vector.broadcast %mul3A : f32 to vector<512x512xf32>
    %mul3A_30 = arith.mulf %mul3A_29, %add3A_26 : vector<512x512xf32>
    %select_n3A = arith.select %ge3A_28, %add3A_26, %mul3A_30 : vector<512x512xi1>, vector<512x512xf32>
    %convert_element_type3A_31 = arith.truncf %select_n3A : vector<512x512xf32> to vector<512x512xbf16>
    %get3A_32 = arith.index_cast %get3A_0 : i32 to index
    %get3A_33 = arith.constant 0 : index
    %get3A_34 = arith.constant 0 : index
    %get3A_35 = vector.load %arg7[%get3A_32, %get3A_33, %get3A_34] : memref<8x512x256xbf16, #tpu.memory_space<vmem>>, vector<1x512x256xbf16>
    %get3A_36 = vector.shape_cast %get3A_35 : vector<1x512x256xbf16> to vector<512x256xbf16>
    %dot_general3A_37 = arith.constant dense<0.000000e+00> : vector<512x256xf32>
    %dot_general3A_38 = tpu.matmul %convert_element_type3A_31, %get3A_36, %dot_general3A_37 {dimension_numbers = #tpu.dot_dimension_numbers<[1], [0], [0], [1], [0, 0, 1, 1], [], []>, transpose_lhs_hint = false} : vector<512x512xbf16>, vector<512x256xbf16>, vector<512x256xf32> -> vector<512x256xf32>
    %get3A_39 = arith.index_cast %get3A_0 : i32 to index
    %get3A_40 = arith.constant 0 : index
    %get3A_41 = vector.load %arg8[%get3A_39, %get3A_40] : memref<8x256xf32, #tpu.memory_space<vmem>>, vector<1x256xf32>
    %get3A_42 = vector.shape_cast %get3A_41 : vector<1x256xf32> to vector<256xf32>
    %broadcast_in_dim3A_43 = vector.shape_cast %get3A_42 : vector<256xf32> to vector<1x256xf32>
    %add3A_44 = vector.broadcast %broadcast_in_dim3A_43 : vector<1x256xf32> to vector<512x256xf32>
    %add3A_45 = arith.addf %dot_general3A_38, %add3A_44 : vector<512x256xf32>
    %ge3A_46 = arith.constant 0.000000e+00 : f32
    %ge3A_47 = vector.broadcast %ge3A_46 : f32 to vector<512x256xf32>
    %ge3A_48 = arith.cmpf oge, %add3A_45, %ge3A_47 : vector<512x256xf32>
    %mul3A_49 = arith.constant 0.00999999977 : f32
    %mul3A_50 = vector.broadcast %mul3A_49 : f32 to vector<512x256xf32>
    %mul3A_51 = arith.mulf %mul3A_50, %add3A_45 : vector<512x256xf32>
    %select_n3A_52 = arith.select %ge3A_48, %add3A_45, %mul3A_51 : vector<512x256xi1>, vector<512x256xf32>
    %bitcast_convert_type3A = tpu.bitcast %select_n3A_52 : vector<512x256xf32> -> vector<512x256xi32>
    %add3A_53 = arith.constant 32767 : i32
    %add3A_54 = vector.broadcast %add3A_53 : i32 to vector<512x256xi32>
    %add3A_55 = arith.addi %bitcast_convert_type3A, %add3A_54 : vector<512x256xi32>
    %shift_right_arithmetic3A = arith.constant 16 : i32
    %shift_right_arithmetic3A_56 = vector.broadcast %shift_right_arithmetic3A : i32 to vector<512x256xi32>
    %shift_right_arithmetic3A_57 = arith.shrsi %bitcast_convert_type3A, %shift_right_arithmetic3A_56 : vector<512x256xi32>
    %and3A = arith.constant 1 : i32
    %and3A_58 = vector.broadcast %and3A : i32 to vector<512x256xi32>
    %and3A_59 = arith.andi %shift_right_arithmetic3A_57, %and3A_58 : vector<512x256xi32>
    %add3A_60 = arith.addi %add3A_55, %and3A_59 : vector<512x256xi32>
    %slice3A = vector.extract_strided_slice %add3A_60 {offsets = [0, 0], sizes = [512, 128], strides = [1, 1]} : vector<512x256xi32> to vector<512x128xi32>
    %shift_right_arithmetic3A_61 = arith.constant 16 : i32
    %shift_right_arithmetic3A_62 = vector.broadcast %shift_right_arithmetic3A_61 : i32 to vector<512x128xi32>
    %shift_right_arithmetic3A_63 = arith.shrsi %slice3A, %shift_right_arithmetic3A_62 : vector<512x128xi32>
    %and3A_64 = arith.constant 65535 : i32
    %and3A_65 = vector.broadcast %and3A_64 : i32 to vector<512x128xi32>
    %and3A_66 = arith.andi %shift_right_arithmetic3A_63, %and3A_65 : vector<512x128xi32>
    %slice3A_67 = vector.extract_strided_slice %add3A_60 {offsets = [0, 128], sizes = [512, 128], strides = [1, 1]} : vector<512x256xi32> to vector<512x128xi32>
    %and3A_68 = arith.constant -65536 : i32
    %and3A_69 = vector.broadcast %and3A_68 : i32 to vector<512x128xi32>
    %and3A_70 = arith.andi %slice3A_67, %and3A_69 : vector<512x128xi32>
    %or3A = arith.ori %and3A_70, %and3A_66 : vector<512x128xi32>
    %swap3A = arith.constant 0 : index
    %swap3A_71 = arith.constant 0 : index
    %swap3A_72 = vector.load %arg9[%swap3A, %swap3A_71] : memref<512x128xi32, #tpu.memory_space<vmem>>, vector<512x128xi32>
    tpu.vector_store %arg9[%swap3A, %swap3A_71], %or3A {strides = array<i32>} : memref<512x128xi32, #tpu.memory_space<vmem>>, vector<512x128xi32>,
    return
  }
  func.func @transform_0(%arg0: i32, %arg1: memref<24xi32, #tpu.memory_space<smem>>) -> (i32, i32) {
    %c0_i32 = arith.constant 0 : i32
    %c0_i32_0 = arith.constant 0 : i32
    return %arg0, %c0_i32 : i32, i32
  }
  func.func @transform_1(%arg0: i32, %arg1: memref<24xi32, #tpu.memory_space<smem>>) -> (i32, i32) {
    %c0_i32 = arith.constant 0 : i32
    %c0_i32_0 = arith.constant 0 : i32
    return %arg0, %c0_i32 : i32, i32
  }
  func.func @transform_2(%arg0: i32, %arg1: memref<24xi32, #tpu.memory_space<smem>>) -> (i32, i32, i32) {
    %c0_i32 = arith.constant 0 : i32
    %c0_i32_0 = arith.constant 0 : i32
    %c0_i32_1 = arith.constant 0 : i32
    %c0_i32_2 = arith.constant 0 : i32
    return %c0_i32, %c0_i32_0, %c0_i32_1 : i32, i32, i32
  }
  func.func @transform_3(%arg0: i32, %arg1: memref<24xi32, #tpu.memory_space<smem>>) -> (i32, i32, i32) {
    %c0_i32 = arith.constant 0 : i32
    %c0_i32_0 = arith.constant 0 : i32
    %c0_i32_1 = arith.constant 0 : i32
    %c0_i32_2 = arith.constant 0 : i32
    return %c0_i32, %c0_i32_0, %c0_i32_1 : i32, i32, i32
  }
  func.func @transform_4(%arg0: i32, %arg1: memref<24xi32, #tpu.memory_space<smem>>) -> (i32, i32) {
    %c0_i32 = arith.constant 0 : i32
    %c0_i32_0 = arith.constant 0 : i32
    %c0_i32_1 = arith.constant 0 : i32
    return %c0_i32, %c0_i32_0 : i32, i32
  }
  func.func @transform_5(%arg0: i32, %arg1: memref<24xi32, #tpu.memory_space<smem>>) -> (i32, i32, i32) {
    %c0_i32 = arith.constant 0 : i32
    %c0_i32_0 = arith.constant 0 : i32
    %c0_i32_1 = arith.constant 0 : i32
    %c0_i32_2 = arith.constant 0 : i32
    return %c0_i32, %c0_i32_0, %c0_i32_1 : i32, i32, i32
  }
  func.func @transform_6(%arg0: i32, %arg1: memref<24xi32, #tpu.memory_space<smem>>) -> (i32, i32) {
    %c0_i32 = arith.constant 0 : i32
    %c0_i32_0 = arith.constant 0 : i32
    %c0_i32_1 = arith.constant 0 : i32
    return %c0_i32, %c0_i32_0 : i32, i32
  }
  func.func @transform_7(%arg0: i32, %arg1: memref<24xi32, #tpu.memory_space<smem>>) -> (i32, i32) {
    %c0_i32 = arith.constant 0 : i32
    %c0_i32_0 = arith.constant 0 : i32
    return %arg0, %c0_i32 : i32, i32
  }
}

module attributes {stable_mosaic.version = 14 : i64} {
  func.func @_uidot_body(%arg0: memref<1024x512xf32, #tpu.memory_space<vmem>>, %arg1: memref<1024x512xf32, #tpu.memory_space<vmem>>, %arg2: memref<512x512xbf16, #tpu.memory_space<vmem>>, %arg3: memref<512x512xbf16, #tpu.memory_space<vmem>>, %arg4: memref<1x512xf32, #tpu.memory_space<vmem>>, %arg5: memref<512x256xbf16, #tpu.memory_space<vmem>>, %arg6: memref<1x256xf32, #tpu.memory_space<vmem>>, %arg7: memref<8192x128xi32, #tpu.memory_space<vmem>>, %arg8: memref<1024x8xf32, #tpu.memory_space<vmem>>) attributes {dimension_semantics = [], scalar_prefetch = 0 : i64, scratch_operands = 0 : i64, tpu.core_type = #tpu.core_type<tc>} {
    %get3A = arith.constant 0 : index
    %get3A_0 = arith.constant 0 : index
    %get3A_1 = vector.load %arg0[%get3A, %get3A_0] : memref<1024x512xf32, #tpu.memory_space<vmem>>, vector<1024x512xf32>
    %convert_element_type3A = arith.truncf %get3A_1 : vector<1024x512xf32> to vector<1024x512xbf16>
    %get3A_2 = arith.constant 0 : index
    %get3A_3 = arith.constant 0 : index
    %get3A_4 = vector.load %arg2[%get3A_2, %get3A_3] : memref<512x512xbf16, #tpu.memory_space<vmem>>, vector<512x512xbf16>
    %dot_general3A = arith.constant dense<0.000000e+00> : vector<1024x512xf32>
    %dot_general3A_5 = tpu.matmul %convert_element_type3A, %get3A_4, %dot_general3A {dimension_numbers = #tpu.dot_dimension_numbers<[1], [0], [0], [1], [0, 0, 1, 1], [], []>, transpose_lhs_hint = false} : vector<1024x512xbf16>, vector<512x512xbf16>, vector<1024x512xf32> -> vector<1024x512xf32>
    %get3A_6 = arith.constant 0 : index
    %get3A_7 = arith.constant 0 : index
    %get3A_8 = vector.load %arg1[%get3A_6, %get3A_7] : memref<1024x512xf32, #tpu.memory_space<vmem>>, vector<1024x512xf32>
    %convert_element_type3A_9 = arith.truncf %get3A_8 : vector<1024x512xf32> to vector<1024x512xbf16>
    %get3A_10 = arith.constant 0 : index
    %get3A_11 = arith.constant 0 : index
    %get3A_12 = vector.load %arg3[%get3A_10, %get3A_11] : memref<512x512xbf16, #tpu.memory_space<vmem>>, vector<512x512xbf16>
    %dot_general3A_13 = arith.constant dense<0.000000e+00> : vector<1024x512xf32>
    %dot_general3A_14 = tpu.matmul %convert_element_type3A_9, %get3A_12, %dot_general3A_13 {dimension_numbers = #tpu.dot_dimension_numbers<[1], [0], [0], [1], [0, 0, 1, 1], [], []>, transpose_lhs_hint = false} : vector<1024x512xbf16>, vector<512x512xbf16>, vector<1024x512xf32> -> vector<1024x512xf32>
    %add3A = arith.addf %dot_general3A_5, %dot_general3A_14 : vector<1024x512xf32>
    %get3A_15 = arith.constant 0 : index
    %get3A_16 = arith.constant 0 : index
    %get3A_17 = vector.load %arg4[%get3A_15, %get3A_16] : memref<1x512xf32, #tpu.memory_space<vmem>>, vector<1x512xf32>
    %add3A_18 = vector.broadcast %get3A_17 : vector<1x512xf32> to vector<1024x512xf32>
    %add3A_19 = arith.addf %add3A, %add3A_18 : vector<1024x512xf32>
    %ge3A = arith.constant 0.000000e+00 : f32
    %ge3A_20 = vector.broadcast %ge3A : f32 to vector<1024x512xf32>
    %ge3A_21 = arith.cmpf oge, %add3A_19, %ge3A_20 : vector<1024x512xf32>
    %mul3A = arith.constant 0.00999999977 : f32
    %mul3A_22 = vector.broadcast %mul3A : f32 to vector<1024x512xf32>
    %mul3A_23 = arith.mulf %mul3A_22, %add3A_19 : vector<1024x512xf32>
    %select_n3A = arith.select %ge3A_21, %add3A_19, %mul3A_23 : vector<1024x512xi1>, vector<1024x512xf32>
    %convert_element_type3A_24 = arith.truncf %select_n3A : vector<1024x512xf32> to vector<1024x512xbf16>
    %get3A_25 = arith.constant 0 : index
    %get3A_26 = arith.constant 0 : index
    %get3A_27 = vector.load %arg5[%get3A_25, %get3A_26] : memref<512x256xbf16, #tpu.memory_space<vmem>>, vector<512x256xbf16>
    %dot_general3A_28 = arith.constant dense<0.000000e+00> : vector<1024x256xf32>
    %dot_general3A_29 = tpu.matmul %convert_element_type3A_24, %get3A_27, %dot_general3A_28 {dimension_numbers = #tpu.dot_dimension_numbers<[1], [0], [0], [1], [0, 0, 1, 1], [], []>, transpose_lhs_hint = false} : vector<1024x512xbf16>, vector<512x256xbf16>, vector<1024x256xf32> -> vector<1024x256xf32>
    %get3A_30 = arith.constant 0 : index
    %get3A_31 = arith.constant 0 : index
    %get3A_32 = vector.load %arg6[%get3A_30, %get3A_31] : memref<1x256xf32, #tpu.memory_space<vmem>>, vector<1x256xf32>
    %add3A_33 = vector.broadcast %get3A_32 : vector<1x256xf32> to vector<1024x256xf32>
    %add3A_34 = arith.addf %dot_general3A_29, %add3A_33 : vector<1024x256xf32>
    %ge3A_35 = arith.constant 0.000000e+00 : f32
    %ge3A_36 = vector.broadcast %ge3A_35 : f32 to vector<1024x256xf32>
    %ge3A_37 = arith.cmpf oge, %add3A_34, %ge3A_36 : vector<1024x256xf32>
    %mul3A_38 = arith.constant 0.00999999977 : f32
    %mul3A_39 = vector.broadcast %mul3A_38 : f32 to vector<1024x256xf32>
    %mul3A_40 = arith.mulf %mul3A_39, %add3A_34 : vector<1024x256xf32>
    %select_n3A_41 = arith.select %ge3A_37, %add3A_34, %mul3A_40 : vector<1024x256xi1>, vector<1024x256xf32>
    %get3A_42 = arith.constant 0 : index
    %get3A_43 = arith.constant 0 : index
    %get3A_44 = vector.load %arg7[%get3A_42, %get3A_43] : memref<8192x128xi32, #tpu.memory_space<vmem>>, vector<8192x128xi32>
    %shift_left3A = arith.constant 16 : i32
    %shift_left3A_45 = vector.broadcast %shift_left3A : i32 to vector<8192x128xi32>
    %shift_left3A_46 = arith.shli %get3A_44, %shift_left3A_45 : vector<8192x128xi32>
    %bitcast_convert_type3A = tpu.bitcast %shift_left3A_46 : vector<8192x128xi32> -> vector<8192x128xf32>
    %and3A = arith.constant -65536 : i32
    %and3A_47 = vector.broadcast %and3A : i32 to vector<8192x128xi32>
    %and3A_48 = arith.andi %get3A_44, %and3A_47 : vector<8192x128xi32>
    %bitcast_convert_type3A_49 = tpu.bitcast %and3A_48 : vector<8192x128xi32> -> vector<8192x128xf32>
    %concatenate3A = tpu.concatenate %bitcast_convert_type3A, %bitcast_convert_type3A_49 in 1 : vector<8192x128xf32>, vector<8192x128xf32> -> vector<8192x256xf32>
    %reshape3A = vector.shape_cast %concatenate3A : vector<8192x256xf32> to vector<1024x8x256xf32>
    %broadcast_in_dim3A = vector.shape_cast %select_n3A_41 : vector<1024x256xf32> to vector<1024x1x256xf32>
    %mul3A_50 = vector.broadcast %broadcast_in_dim3A : vector<1024x1x256xf32> to vector<1024x8x256xf32>
    %mul3A_51 = arith.mulf %reshape3A, %mul3A_50 : vector<1024x8x256xf32>
    %reduce_sum3A = arith.constant dense<0.000000e+00> : vector<1024x8xf32>
    %reduce_sum3A_52 = vector.multi_reduction <add>, %mul3A_51, %reduce_sum3A [2] : vector<1024x8x256xf32> to vector<1024x8xf32>
    %swap3A = arith.constant 0 : index
    %swap3A_53 = arith.constant 0 : index
    %swap3A_54 = vector.load %arg8[%swap3A, %swap3A_53] : memref<1024x8xf32, #tpu.memory_space<vmem>>, vector<1024x8xf32>
    tpu.vector_store %arg8[%swap3A, %swap3A_53], %reduce_sum3A_52 {strides = array<i32>} : memref<1024x8xf32, #tpu.memory_space<vmem>>, vector<1024x8xf32>,
    return
  }
}

</mosaic_0001>

<sc_bundles>
// kernel: kernel.10.cloned.1.call-start
scs
__scs_entry_jumppad:
0x0: {  	(pc) =	sbr.rel $0x88, $3  }
0x1: {  	(tag) =	ssettag $0x0;
	lr =	simm.s32 $0x1  }
0x2: {  	[smem:$0x3F94] =	sst lr;
	_ =	strace $0xD0000000  }
0x3: {  	_ = 	snop  }
0x4: {  	_ = 	snop  }
0x5: {  	_ = 	snop  }
0x6: {  	_ = 	snop  }
0x7: {  	_ = 	snop  }
__scs_overlays_trampoline_lowered:
0x8: {  	[smem:$0x3FA3] =	sst s0  }
0x9: {  	[smem:$0x3FA4] =	sst s1  }
0xa: {  	[smem:$0x3FA5] =	sst s2  }
0xb: {  	[smem:$0x3FA6] =	sst s3  }
0xc: {  	[smem:$0x3FA7] =	sst s4  }
0xd: {  	[smem:$0x3FA8] =	sst s5  }
0xe: {  	[smem:$0x3FA9] =	sst s6  }
0xf: {  	[smem:$0x3FAA] =	sst s7  }
0x10: {  	[smem:$0x3FAB] =	sst s8  }
0x11: {  	[smem:$0x3FAC] =	sst s9;
	s0 =	simm.s32 @!p0 $0x0  }
0x12: {  	s1 =	sld [smem:$0x3F92];
	s0 =	simm.s32 @p0 $0x1  }
0x13: {  	[smem:$0x3FAD] =	sst s0;
	s0 =	simm.s32 @!p1 $0x0  }
0x14: {  	s2 =	sld [smem:$0x3F91];
	s0 =	simm.s32 @p1 $0x1  }
0x15: {  	[smem:$0x3FAE] =	sst s0;
	s0 =	simm.s32 @!p2 $0x0  }
0x16: {  	s3 =	sld [smem:$0x3FDB];
	s0 =	simm.s32 @p2 $0x1  }
0x17: {  	s4 =	simm.s32 $0x1BF5;
	[smem:$0x3FB0] =	sst s0  }
0x18: {  	s0 =	sld [smem:$0x3F93];
	_ =	swait.ge [sflag:s4], $0x0  }
0x19: {  	s7 =	sld [smem:$0x3F94]  }
0x1a: {  	s8 =	sadd.s32 $0xFFFFE003, lr  }
0x1b: {  	s9 =	sadd.s32 $0xFFFFFEF7, lr;
	s5 =	simm.s32 $0xFFFFFFFF;
	p2 =	slt.u32 s8, $0xFFFFF086  }
0x1c: {  	p1 =	slt.u32 s9, $0xF7A;
	s5 =	simm.s32 @!p2 $0x0  }
0x1d: {  	s5 =	simm.s32 @p1 $0x1;
	p0 =	seq.s32 s7, s2  }
0x1e: {  	s7 =	smul.u32 @!p0 $0xF7A, s2;
	p2 =	seq.s32 @!p0 s5, $0x0  }
0x1f: {  	s9 =	smul.u32 $0xF7A, s1;
	s8 =	simm.s32 @!p0 $0x1BF5;
	p2 =	por !p2, p0  }
0x20: {  	[sflag:s8] =	ssyncset.s32 @!p0 $0xFFFFF086;
	s6 =	sadd.s32 @!p0 s3, s7;
	s7 =	simm.s32 @!p0 $0x108  }
0x21: {  	s3 =	sadd.s32 s3, s9;
	s6 =	sadd.s32 @!p0 $0x88, s6;
	s7 =	simm.s32 @p2 $0x1082  }
0x22: {  	[simem:s7], [sflag:s8] =	dma.local @!p0 [hbm:s6], $0xF7A  }
0x23: {  	s9 =	sor.u32 $0xD0000000, s2;
	s6 =	simm.s32 $0x108;
	_ =	swait.ge @!p0 [sflag:s8], $0x0  }
0x24: {  	s3 =	sadd.s32 $0x88, s3;
	s6 =	simm.s32 @!p1 $0x1082;
	[sflag:s4] =	ssyncset.s32 $0xFFFFF086  }
0x25: {  	[simem:s6], [sflag:s4] =	dma.local [hbm:s3], $0xF7A  }
0x26: {  	[smem:$0x3F94] =	sst s1;
	(tag) =	ssettag s2;
	_ =	strace s9  }
0x27: {  	s1 =	sld [smem:$0x3FA4]  }
0x28: {  	s2 =	sld [smem:$0x3FA5]  }
0x29: {  	s4 =	sld [smem:$0x3FA7]  }
0x2a: {  	p0 =	seq.s32 s5, $0x0;
	s5 =	sld [smem:$0x3FA8]  }
0x2b: {  	s6 =	sld [smem:$0x3FA9]  }
0x2c: {  	s7 =	sld [smem:$0x3FAA]  }
0x2d: {  	s3 =	simm.s32 $0x108;
	s8 =	sld [smem:$0x3FAB]  }
0x2e: {  	s3 =	simm.s32 @!p0 $0x1082;
	s9 =	sld [smem:$0x3FAC]  }
0x2f: {  	lr =	sadd.s32 s0, s3;
	s0 =	sld [smem:$0x3FA3]  }
0x30: {  	s3 =	sld [smem:$0x3FA6]  }
0x31: {  	[smem:$0x3FAF] =	sst s10  }
0x32: {  	s10 =	sld [smem:$0x3FAD];
	_ =	sdelay $0x3  }
0x33: {  	p0 =	seq.s32 s10, $0x1;
	s10 =	sld [smem:$0x3FAF];
	_ =	sdelay $0x3  }
0x34: {  	[smem:$0x3FAF] =	sst s10  }
0x35: {  	s10 =	sld [smem:$0x3FAE];
	_ =	sdelay $0x3  }
0x36: {  	p1 =	seq.s32 s10, $0x1;
	s10 =	sld [smem:$0x3FAF];
	_ =	sdelay $0x3  }
0x37: {  	[smem:$0x3FAF] =	sst s10  }
0x38: {  	s10 =	sld [smem:$0x3FB0]  }
0x39: {  	_ = 	snop;
	(pc) =	sbr.ind lr, $3  }
0x3a: {  	_ = 	snop  }
0x3b: {  	_ = 	snop  }
0x3c: {  	p2 =	seq.s32 s10, $0x1;
	s10 =	sld [smem:$0x3FAF]  }
0x3d: {  	_ =	shalt  }
0x3e: {  	_ =	shalt  }
0x3f: {  	_ =	shalt  }
0x40: {  	_ =	shalt  }
0x41: {  	_ =	shalt  }
0x42: {  	_ =	shalt  }
0x43: {  	_ =	shalt  }
0x44: {  	_ =	shalt  }
0x45: {  	_ =	shalt  }
0x46: {  	_ =	shalt  }
0x47: {  	_ =	shalt  }
0x48: {  	_ =	shalt  }
0x49: {  	_ =	shalt  }
0x4a: {  	_ =	shalt  }
0x4b: {  	_ =	shalt  }
0x4c: {  	_ =	shalt  }
0x4d: {  	_ =	shalt  }
0x4e: {  	_ =	shalt  }
0x4f: {  	_ =	shalt  }
0x50: {  	_ =	shalt  }
0x51: {  	_ =	shalt  }
0x52: {  	_ =	shalt  }
0x53: {  	_ =	shalt  }
0x54: {  	_ =	shalt  }
0x55: {  	_ =	shalt  }
0x56: {  	_ =	shalt  }
0x57: {  	_ =	shalt  }
0x58: {  	_ =	shalt  }
0x59: {  	_ =	shalt  }
0x5a: {  	_ =	shalt  }
0x5b: {  	_ =	shalt  }
0x5c: {  	_ =	shalt  }
0x5d: {  	_ =	shalt  }
0x5e: {  	_ =	shalt  }
0x5f: {  	_ =	shalt  }
0x60: {  	_ =	shalt  }
0x61: {  	_ =	shalt  }
0x62: {  	_ =	shalt  }
0x63: {  	_ =	shalt  }
0x64: {  	_ =	shalt  }
0x65: {  	_ =	shalt  }
0x66: {  	_ =	shalt  }
0x67: {  	_ =	shalt  }
0x68: {  	_ =	shalt  }
0x69: {  	_ =	shalt  }
0x6a: {  	_ =	shalt  }
0x6b: {  	_ =	shalt  }
0x6c: {  	_ =	shalt  }
0x6d: {  	_ =	shalt  }
0x6e: {  	_ =	shalt  }
0x6f: {  	_ =	shalt  }
0x70: {  	_ =	shalt  }
0x71: {  	_ =	shalt  }
0x72: {  	_ =	shalt  }
0x73: {  	_ =	shalt  }
0x74: {  	_ =	shalt  }
0x75: {  	_ =	shalt  }
0x76: {  	_ =	shalt  }
0x77: {  	_ =	shalt  }
0x78: {  	_ =	shalt  }
0x79: {  	_ =	shalt  }
0x7a: {  	_ =	shalt  }
0x7b: {  	_ =	shalt  }
0x7c: {  	_ =	shalt  }
0x7d: {  	_ =	shalt  }
0x7e: {  	_ =	shalt  }
0x7f: {  	_ =	shalt  }
0x80: {  	_ =	shalt  }
0x81: {  	_ =	shalt  }
0x82: {  	_ =	shalt  }
0x83: {  	_ =	shalt  }
0x84: {  	_ =	shalt  }
0x85: {  	_ =	shalt  }
0x86: {  	_ =	shalt  }
0x87: {  	_ =	shalt  }
.Lfunc_end0:
.L_simem_size_0:
called_computation.1_lowered:
.L_overlay_start_0:
0x88: {  	s2 =	sld [smem:$0x3FD9]  }
0x89: {  	s3 =	sld [smem:$0x3FFE];
	_ =	sdelay $0x1  }
0x8a: {  	s1 =	srdreg.scid  }
0x8b: {  	s0 =	sand.u32 $0x1, s1  }
0x8c: {  	s17 =	sshll.u32 s0, $0xA;
	s2 =	sadd.s32 s3, s2  }
0x8d: {  	s2 =	sadd.s32 s2, s17  }
0x8e: {  	[smem:$0x3FBB] =	sst s2  }
0x8f: {  	_ = 	snop  }
0x90: {  	s2 =	sld [smem:$0x3FD0];
	(tm) =	ssettm $0x1  }
0x91: {  	s18 =	sld [smem:$0x3FFB];
	_ =	sdelay $0x3  }
0x92: {  	_ =	strace s18  }
0x93: {  	s3 =	sld [smem:$0x3FFC];
	_ =	sdelay $0x3  }
0x94: {  	_ =	strace s3  }
0x95: {  	s3 =	sld [smem:$0x3FFD];
	_ =	sdelay $0x3  }
0x96: {  	_ =	strace s3  }
0x97: {  	_ =	strace $0x8FFFFFFF  }
0x98: {  	s19 =	sld [smem:$0x3FDB];
	_ =	sdelay $0x1  }
0x99: {  	s4 =	simm.s32 $_scs_section_size  }
0x9a: {  	s5 =	simm.s32 $_size__tile_overlayer_lowered;
	s6 =	simm.s32 $_tile_overlayer_lowered  }
0x9b: {  	s22 =	simm.s32 $0x1BFF;
	s21 =	sshll.u32 s6, $0x1;
	s3 =	sadd.s32 s4, s19  }
0x9c: {  	s7 =	simm.s32 $0x0;
	s20 =	sshll.u32 s5, $0x1;
	s5 =	sadd.s32 s21, s3  }
0x9d: {  	[timem:s7], [sflag:s22] =	dma.local [hbm:s5], s20  }
0x9e: {  	_ =	swait.ge [sflag:s22], s20  }
0x9f: {  	s4 =	ssub.s32 $0x0, s20;
	[sflag:s22] =	ssyncset.done $0x0  }
0xa0: {  	[sflag:s22] =	ssyncadd.s32 s4;
	_ =	sdelay $0x1  }
0xa1: {  	s23 =	simm.s32 $0x1B8B  }
0xa2: {  	_ =	swait.ge [sflag:s23], $0x1  }
0xa3: {  	[sflag:s23] =	ssyncset.done $0x0  }
0xa4: {  	s25 =	simm.s32 $0x1B8E;
	s24 =	sld [smem:$0x3FFE];
	[sflag:s23] =	ssyncadd.s32 $0xFFFFFFFF  }
0xa5: {  	s26 =	simm.s32 $execute0_lowered;
	[smem:$0x3FD2] =	sst s25  }
0xa6: {  	s5 =	sshll.u32 s26, $0x1;
	_ =	strace $0x80000049;
	[dreg:$0x1] =	wrdreg $0xFFFFFFFF  }
0xa7: {  	s28 =	simm.s32 $_size_execute0_lowered;
	s3 =	sadd.s32 s3, s5;
	[dreg:$0x0] =	wrdreg $0x0  }
0xa8: {  	s5 =	sshll.u32 s28, $0x1;
	[dreg:$0x2] =	wrdreg s3  }
0xa9: {  	[dreg:$0x3] =	wrdreg s5  }
0xaa: {  	[dreg:$0x4] =	wrdreg $0xC0  }
0xab: {  	_ =	task [dreg:s7], $0x5FFFF  }
0xac: {  	[dreg:$0x1] =	wrdreg $0xFFFFFFFF  }
0xad: {  	[dreg:$0x0] =	wrdreg $0x60  }
0xae: {  	[dreg:$0x2] =	wrdreg s24  }
0xaf: {  	[dreg:$0x3] =	wrdreg s2  }
0xb0: {  	[dreg:$0x4] =	wrdreg $0x9  }
0xb1: {  	_ =	task.clear_ibuf [dreg:s7], $0x5FFFF;
	_ =	strace $0x90000049  }
0xb2: {  	s29 =	simm.s32 $0x9;
	_ =	strace $0x8000004B  }
0xb3: {  	_ =	swait.ge [sflag:s29], $0x1  }
0xb4: {  	[sflag:s29] =	ssyncadd.s32 $0xFFFFFFFF  }
0xb5: {  	_ =	strace $0x9000004B  }
0xb6: {  	_ =	sfence  }
0xb7: {  	s30 =	sld [smem:$0x0];
	_ =	sdelay $0x2  }
0xb8: {  	s31 =	sshll.u32 s1, $0xD;
	s1 =	sshrl.u32 s1, $0x2  }
0xb9: {  	s3 =	sand.u32 $0x4000, s31;
	s1 =	sadd.s32 s1, s30  }
0xba: {  	s0 =	sor.u32 s3, s0;
	s1 =	sshll.u32 s1, $0x11  }
0xbb: {  	s0 =	sor.u32 s1, s0  }
0xbc: {  	s0 =	sadd.s32 $0x8F2B, s0  }
0xbd: {  	[sflag:s0] =	ssyncadd.remote.s32 $0x1  }
0xbe: {  	_ =	sfence.sel $0xFFFF  }
0xbf: {  	[dreg:$0x0] =	wrdreg $0xFFFFFFFF;
	(pc) =	sbr.abs _section_cstart, $3  }
0xc0: {  	[dreg:$0x1] =	wrdreg $0xFFFFFFFF  }
0xc1: {  	_ =	task.clear_ibuf [dreg:s7], $0x2FFFF;
	_ =	strace $0x9FFFFFFF  }
0xc2: {  	(tm) =	ssettm $0x7FFFFFFF  }
0xc3: {  	_ =	shalt  }
tec
execute0_lowered:
.L_overlay_start_1:
0x0: {  	(tag) =	ssettag $0x1  }
0x1: {  	s1 =	srdreg.scid  }
0x2: {  	s11 =	rddreg [dreg:$0x0];
	s0 =	stileid.u32;
	s12 =	sand.u32 $0x1, s1  }
0x3: {  	s8 =	rddreg [dreg:$0x1];
	s3 =	sshll.u32 s0, $0x9;
	s4 =	sshll.u32 s12, $0x8  }
0x4: {  	s2 =	simm.s32 $0x0;
	s1 =	rddreg [dreg:$0x2];
	s13 =	sor.u32 s4, s3  }
0x5: {  	[smem:$0x7FF] =	sst s2;
	s3 =	sshrl.u32 s13, $0x3  }
0x6: {  	_ =	strace $0x8000004A;
	s4 =	sadd.s32 s8, s3;
	s3 =	simm.s32 $0x3  }
0x7: {  	[tilespmem:s2], [sflag:$0x3] =	stream.linear.gather [hbm4b:s4+s2], $0x80, $0x38;
	[tilespmem:$0x8100] =	vst v63  }
0x8: {  	s6 =	simm.s32 $0x80;
	_ =	swait.ge [sflag:s3], $0x80  }
0x9: {  	s7 =	simm.s32 $0x100;
	s14 =	sor.u32 $0x80, s13;
	[sflag:s3] =	ssyncset.done $0x0  }
0xa: {  	s5 =	sadd.s32 $0x2A00, s11;
	s9 =	sshrl.u32 s14, $0x3;
	[sflag:s3] =	ssyncadd.s32 $0xFFFFFF80  }
0xb: {  	[tilespmem:s7], [sflag:$0x1] =	stream.indirect.gather [hbm4b:s5+s6], $0x80, s2, s6, $0xb8;
	[tilespmem:$0x8100] =	vst v63  }
0xc: {  	s8 =	sadd.s32 s8, s9  }
0xd: {  	[tilespmem:s6], [sflag:$0x3] =	stream.linear.gather [hbm4b:s8+s2], $0x80, $0x38;
	[tilespmem:$0x8100] =	vst v63  }
0xe: {  	_ =	swait.ge [sflag:s3], $0x80  }
0xf: {  	[sflag:s3] =	ssyncset.done $0x0  }
0x10: {  	s10 =	simm.s32 $0x1;
	s9 =	simm.s32 $0x4100;
	[sflag:s3] =	ssyncadd.s32 $0xFFFFFF80  }
0x11: {  	[tilespmem:s9], [sflag:$0x2] =	stream.indirect.gather [hbm4b:s5+s6], $0x80, s6, s6, $0xb8;
	[tilespmem:$0x8100] =	vst v63  }
0x12: {  	_ =	swait.ge [sflag:s10], $0x4000  }
0x13: {  	s15 =	sadd.s32 $0x32A00, s11;
	s28 =	sshll.u32 s13, $0x4;
	[sflag:s10] =	ssyncset.done $0x0  }
0x14: {  	s29 =	ssub.s32 $0x2, s12;
	s11 =	sadd.s32 s15, s28;
	[sflag:s10] =	ssyncadd.s32 $0xFFFFC000  }
0x15: {  	[hbm4b:s11+s2] =	stream.linear.scatter [tilespmem:s7], [sflag:$0x3], $0x4000, $0x38;
	[tilespmem:$0x8100] =	vst v63  }
0x16: {  	s16 =	sshrl.u32 s29, $0x1;
	_ =	swait.ge [sflag:s3], $0x4000  }
0x17: {  	s16 =	ssub.s32 s29, s16;
	[sflag:s3] =	ssyncset.done $0x0  }
0x18: {  	s12 =	simm.s32 $0x2;
	s31 =	smax.u32 s16, $0x1;
	[sflag:s3] =	ssyncadd.s32 $0xFFFFC000  }
0x19: {  	p0 =	sne.s32 s31, $0x1;
	_ =	swait.ge [sflag:s12], $0x4000  }
.Ltmp0:
0x1a: {  	s30 =	sshll.u32 s14, $0x4;
	[sflag:s12] =	ssyncset.done $0x0;
	(pc) =	sbr.rel @!p0 .LBB2_2-.Ltmp0, $4  }
0x1b: {  	s13 =	sadd.s32 s15, s30;
	[sflag:s12] =	ssyncadd.s32 $0xFFFFC000  }
0x1c: {  	[hbm4b:s13+s2] =	stream.linear.scatter [tilespmem:s9], [sflag:$0x3], $0x4000, $0x38;
	[tilespmem:$0x8100] =	vst v63  }
0x1d: {  	_ =	swait.ge [sflag:s3], $0x4000  }
0x1e: {  	s14 =	sadd.s32 $0xFFFFFFFF, s31;
	[sflag:s3] =	ssyncset.done $0x0  }
.LBB2_1:
0x1f: {  	p0 =	sne.s32 s14, $0x1;
	s14 =	sadd.s32 $0xFFFFFFFF, s14;
	[sflag:s3] =	ssyncadd.s32 $0xFFFFC000  }
0x20: {  	[tilespmem:s2], [sflag:$0x3] =	stream.linear.gather [hbm4b:s4+s2], $0x80, $0x38;
	[tilespmem:$0x8100] =	vst v63  }
0x21: {  	_ =	swait.ge [sflag:s3], $0x80  }
0x22: {  	[sflag:s3] =	ssyncset.done $0x0  }
0x23: {  	[sflag:s3] =	ssyncadd.s32 $0xFFFFFF80  }
0x24: {  	[tilespmem:s7], [sflag:$0x1] =	stream.indirect.gather [hbm4b:s5+s6], $0x80, s2, s6, $0xb8;
	[tilespmem:$0x8100] =	vst v63  }
0x25: {  	_ = 	snop  }
0x26: {  	[tilespmem:s6], [sflag:$0x3] =	stream.linear.gather [hbm4b:s8+s2], $0x80, $0x38;
	[tilespmem:$0x8100] =	vst v63  }
0x27: {  	_ =	swait.ge [sflag:s3], $0x80  }
0x28: {  	[sflag:s3] =	ssyncset.done $0x0  }
0x29: {  	[sflag:s3] =	ssyncadd.s32 $0xFFFFFF80  }
0x2a: {  	[tilespmem:s9], [sflag:$0x2] =	stream.indirect.gather [hbm4b:s5+s6], $0x80, s6, s6, $0xb8;
	[tilespmem:$0x8100] =	vst v63  }
0x2b: {  	_ =	swait.ge [sflag:s10], $0x4000  }
0x2c: {  	[sflag:s10] =	ssyncset.done $0x0  }
0x2d: {  	[sflag:s10] =	ssyncadd.s32 $0xFFFFC000  }
0x2e: {  	[hbm4b:s11+s2] =	stream.linear.scatter [tilespmem:s7], [sflag:$0x3], $0x4000, $0x38;
	[tilespmem:$0x8100] =	vst v63  }
0x2f: {  	_ =	swait.ge [sflag:s3], $0x4000  }
0x30: {  	[sflag:s3] =	ssyncset.done $0x0  }
0x31: {  	[sflag:s3] =	ssyncadd.s32 $0xFFFFC000  }
0x32: {  	_ =	swait.ge [sflag:s12], $0x4000  }
.Ltmp1:
0x33: {  	[sflag:s12] =	ssyncset.done $0x0;
	(pc) =	sbr.rel @p0 .LBB2_1-.Ltmp1, $4  }
0x34: {  	[sflag:s12] =	ssyncadd.s32 $0xFFFFC000  }
0x35: {  	[hbm4b:s13+s2] =	stream.linear.scatter [tilespmem:s9], [sflag:$0x3], $0x4000, $0x38;
	[tilespmem:$0x8100] =	vst v63  }
0x36: {  	_ =	swait.ge [sflag:s3], $0x4000  }
0x37: {  	[sflag:s3] =	ssyncset.done $0x0  }
.LBB2_2:
0x38: {  	[sflag:s3] =	ssyncadd.s32 $0xFFFFC000  }
0x39: {  	_ =	sfence.sel $0x180000  }
0x3a: {  	[bflag:$0x0] =	sbarrier.arrive $0xFFFF  }
0x3b: {  	p0 =	sne.s32 s0, $0x0;
	_ =	strace $0x9000004A  }
0x3c: {  	s0 =	sadd.s32 @!p0 $0x100000, s1;
	[bflag:$0x2] =	sbarrier.arrive $0xFFFF  }
0x3d: {  	[sflag:s0] =	ssyncadd.tile.s32 @!p0 $0x1;
	_ =	shalt  }
.Lfunc_end2:
_tile_overlayer_lowered:
.L_overlay_start_2:
0x3e: {  	(tag) =	ssettag $0x2  }
0x3f: {  	s0 =	rddreg [dreg:$0x0];
	s2 =	stileid.u32  }
0x40: {  	s1 =	rddreg [dreg:$0x1];
	p0 =	sne.s32 s2, $0x0  }
0x41: {  	s3 =	rddreg [dreg:$0x2];
	[bflag:$0x3] =	sbarrier.arrive $0xFFFF;
	s2 =	simm.s32 @!p0 $0x1C03  }
0x42: {  	[timem:s3], [sflag:s2] =	dma.local @!p0 [hbm:s0], s1  }
0x43: {  	s0 =	simm.s32 @!p0 $0x3  }
0x44: {  	_ =	swait.ge @!p0 [sflag:s0], s1  }
0x45: {  	s1 =	ssub.s32 @!p0 $0x0, s1;
	[sflag:s0] =	ssyncset.done @!p0 $0x0  }
0x46: {  	[sflag:s0] =	ssyncadd.s32 @!p0 s1  }
0x47: {  	[bflag:$0x3] =	sbarrier.arrive $0xFFFF  }
0x48: {  	_ =	shalt  }

// kernel: kernel.7.cloned.1.call-start
scs
__scs_entry_jumppad:
0x0: {  	(pc) =	sbr.rel $0x88, $3  }
0x1: {  	(tag) =	ssettag $0x0;
	lr =	simm.s32 $0x1  }
0x2: {  	[smem:$0x3F94] =	sst lr;
	_ =	strace $0xD0000000  }
0x3: {  	_ = 	snop  }
0x4: {  	_ = 	snop  }
0x5: {  	_ = 	snop  }
0x6: {  	_ = 	snop  }
0x7: {  	_ = 	snop  }
__scs_overlays_trampoline_lowered:
0x8: {  	[smem:$0x3FA3] =	sst s0  }
0x9: {  	[smem:$0x3FA4] =	sst s1  }
0xa: {  	[smem:$0x3FA5] =	sst s2  }
0xb: {  	[smem:$0x3FA6] =	sst s3  }
0xc: {  	[smem:$0x3FA7] =	sst s4  }
0xd: {  	[smem:$0x3FA8] =	sst s5  }
0xe: {  	[smem:$0x3FA9] =	sst s6  }
0xf: {  	[smem:$0x3FAA] =	sst s7  }
0x10: {  	[smem:$0x3FAB] =	sst s8  }
0x11: {  	[smem:$0x3FAC] =	sst s9;
	s0 =	simm.s32 @!p0 $0x0  }
0x12: {  	s1 =	sld [smem:$0x3F92];
	s0 =	simm.s32 @p0 $0x1  }
0x13: {  	[smem:$0x3FAD] =	sst s0;
	s0 =	simm.s32 @!p1 $0x0  }
0x14: {  	s2 =	sld [smem:$0x3F91];
	s0 =	simm.s32 @p1 $0x1  }
0x15: {  	[smem:$0x3FAE] =	sst s0;
	s0 =	simm.s32 @!p2 $0x0  }
0x16: {  	s3 =	sld [smem:$0x3FDB];
	s0 =	simm.s32 @p2 $0x1  }
0x17: {  	s4 =	simm.s32 $0x1BF5;
	[smem:$0x3FB0] =	sst s0  }
0x18: {  	s0 =	sld [smem:$0x3F93];
	_ =	swait.ge [sflag:s4], $0x0  }
0x19: {  	s7 =	sld [smem:$0x3F94]  }
0x1a: {  	s8 =	sadd.s32 $0xFFFFE003, lr  }
0x1b: {  	s9 =	sadd.s32 $0xFFFFFEF7, lr;
	s5 =	simm.s32 $0xFFFFFFFF;
	p2 =	slt.u32 s8, $0xFFFFF086  }
0x1c: {  	p1 =	slt.u32 s9, $0xF7A;
	s5 =	simm.s32 @!p2 $0x0  }
0x1d: {  	s5 =	simm.s32 @p1 $0x1;
	p0 =	seq.s32 s7, s2  }
0x1e: {  	s7 =	smul.u32 @!p0 $0xF7A, s2;
	p2 =	seq.s32 @!p0 s5, $0x0  }
0x1f: {  	s9 =	smul.u32 $0xF7A, s1;
	s8 =	simm.s32 @!p0 $0x1BF5;
	p2 =	por !p2, p0  }
0x20: {  	[sflag:s8] =	ssyncset.s32 @!p0 $0xFFFFF086;
	s6 =	sadd.s32 @!p0 s3, s7;
	s7 =	simm.s32 @!p0 $0x108  }
0x21: {  	s3 =	sadd.s32 s3, s9;
	s6 =	sadd.s32 @!p0 $0x88, s6;
	s7 =	simm.s32 @p2 $0x1082  }
0x22: {  	[simem:s7], [sflag:s8] =	dma.local @!p0 [hbm:s6], $0xF7A  }
0x23: {  	s9 =	sor.u32 $0xD0000000, s2;
	s6 =	simm.s32 $0x108;
	_ =	swait.ge @!p0 [sflag:s8], $0x0  }
0x24: {  	s3 =	sadd.s32 $0x88, s3;
	s6 =	simm.s32 @!p1 $0x1082;
	[sflag:s4] =	ssyncset.s32 $0xFFFFF086  }
0x25: {  	[simem:s6], [sflag:s4] =	dma.local [hbm:s3], $0xF7A  }
0x26: {  	[smem:$0x3F94] =	sst s1;
	(tag) =	ssettag s2;
	_ =	strace s9  }
0x27: {  	s1 =	sld [smem:$0x3FA4]  }
0x28: {  	s2 =	sld [smem:$0x3FA5]  }
0x29: {  	s4 =	sld [smem:$0x3FA7]  }
0x2a: {  	p0 =	seq.s32 s5, $0x0;
	s5 =	sld [smem:$0x3FA8]  }
0x2b: {  	s6 =	sld [smem:$0x3FA9]  }
0x2c: {  	s7 =	sld [smem:$0x3FAA]  }
0x2d: {  	s3 =	simm.s32 $0x108;
	s8 =	sld [smem:$0x3FAB]  }
0x2e: {  	s3 =	simm.s32 @!p0 $0x1082;
	s9 =	sld [smem:$0x3FAC]  }
0x2f: {  	lr =	sadd.s32 s0, s3;
	s0 =	sld [smem:$0x3FA3]  }
0x30: {  	s3 =	sld [smem:$0x3FA6]  }
0x31: {  	[smem:$0x3FAF] =	sst s10  }
0x32: {  	s10 =	sld [smem:$0x3FAD];
	_ =	sdelay $0x3  }
0x33: {  	p0 =	seq.s32 s10, $0x1;
	s10 =	sld [smem:$0x3FAF];
	_ =	sdelay $0x3  }
0x34: {  	[smem:$0x3FAF] =	sst s10  }
0x35: {  	s10 =	sld [smem:$0x3FAE];
	_ =	sdelay $0x3  }
0x36: {  	p1 =	seq.s32 s10, $0x1;
	s10 =	sld [smem:$0x3FAF];
	_ =	sdelay $0x3  }
0x37: {  	[smem:$0x3FAF] =	sst s10  }
0x38: {  	s10 =	sld [smem:$0x3FB0]  }
0x39: {  	_ = 	snop;
	(pc) =	sbr.ind lr, $3  }
0x3a: {  	_ = 	snop  }
0x3b: {  	_ = 	snop  }
0x3c: {  	p2 =	seq.s32 s10, $0x1;
	s10 =	sld [smem:$0x3FAF]  }
0x3d: {  	_ =	shalt  }
0x3e: {  	_ =	shalt  }
0x3f: {  	_ =	shalt  }
0x40: {  	_ =	shalt  }
0x41: {  	_ =	shalt  }
0x42: {  	_ =	shalt  }
0x43: {  	_ =	shalt  }
0x44: {  	_ =	shalt  }
0x45: {  	_ =	shalt  }
0x46: {  	_ =	shalt  }
0x47: {  	_ =	shalt  }
0x48: {  	_ =	shalt  }
0x49: {  	_ =	shalt  }
0x4a: {  	_ =	shalt  }
0x4b: {  	_ =	shalt  }
0x4c: {  	_ =	shalt  }
0x4d: {  	_ =	shalt  }
0x4e: {  	_ =	shalt  }
0x4f: {  	_ =	shalt  }
0x50: {  	_ =	shalt  }
0x51: {  	_ =	shalt  }
0x52: {  	_ =	shalt  }
0x53: {  	_ =	shalt  }
0x54: {  	_ =	shalt  }
0x55: {  	_ =	shalt  }
0x56: {  	_ =	shalt  }
0x57: {  	_ =	shalt  }
0x58: {  	_ =	shalt  }
0x59: {  	_ =	shalt  }
0x5a: {  	_ =	shalt  }
0x5b: {  	_ =	shalt  }
0x5c: {  	_ =	shalt  }
0x5d: {  	_ =	shalt  }
0x5e: {  	_ =	shalt  }
0x5f: {  	_ =	shalt  }
0x60: {  	_ =	shalt  }
0x61: {  	_ =	shalt  }
0x62: {  	_ =	shalt  }
0x63: {  	_ =	shalt  }
0x64: {  	_ =	shalt  }
0x65: {  	_ =	shalt  }
0x66: {  	_ =	shalt  }
0x67: {  	_ =	shalt  }
0x68: {  	_ =	shalt  }
0x69: {  	_ =	shalt  }
0x6a: {  	_ =	shalt  }
0x6b: {  	_ =	shalt  }
0x6c: {  	_ =	shalt  }
0x6d: {  	_ =	shalt  }
0x6e: {  	_ =	shalt  }
0x6f: {  	_ =	shalt  }
0x70: {  	_ =	shalt  }
0x71: {  	_ =	shalt  }
0x72: {  	_ =	shalt  }
0x73: {  	_ =	shalt  }
0x74: {  	_ =	shalt  }
0x75: {  	_ =	shalt  }
0x76: {  	_ =	shalt  }
0x77: {  	_ =	shalt  }
0x78: {  	_ =	shalt  }
0x79: {  	_ =	shalt  }
0x7a: {  	_ =	shalt  }
0x7b: {  	_ =	shalt  }
0x7c: {  	_ =	shalt  }
0x7d: {  	_ =	shalt  }
0x7e: {  	_ =	shalt  }
0x7f: {  	_ =	shalt  }
0x80: {  	_ =	shalt  }
0x81: {  	_ =	shalt  }
0x82: {  	_ =	shalt  }
0x83: {  	_ =	shalt  }
0x84: {  	_ =	shalt  }
0x85: {  	_ =	shalt  }
0x86: {  	_ =	shalt  }
0x87: {  	_ =	shalt  }
.Lfunc_end0:
.L_simem_size_0:
called_computation_lowered:
.L_overlay_start_0:
0x88: {  	s2 =	sld [smem:$0x3FD9]  }
0x89: {  	s3 =	sld [smem:$0x3FFE];
	_ =	sdelay $0x1  }
0x8a: {  	s1 =	srdreg.scid  }
0x8b: {  	s0 =	sand.u32 $0x1, s1  }
0x8c: {  	s17 =	sshll.u32 s0, $0xA;
	s2 =	sadd.s32 s3, s2  }
0x8d: {  	s2 =	sadd.s32 s2, s17  }
0x8e: {  	[smem:$0x3FBB] =	sst s2  }
0x8f: {  	_ = 	snop  }
0x90: {  	s2 =	sld [smem:$0x3FC7]  }
0x91: {  	s18 =	sld [smem:$0x3FC6]  }
0x92: {  	s4 =	sld [smem:$0x3FD0];
	(tm) =	ssettm $0x1  }
0x93: {  	s5 =	sld [smem:$0x3FFB];
	_ =	sdelay $0x3  }
0x94: {  	_ =	strace s5  }
0x95: {  	s5 =	sld [smem:$0x3FFC];
	_ =	sdelay $0x3  }
0x96: {  	_ =	strace s5  }
0x97: {  	s5 =	sld [smem:$0x3FFD];
	_ =	sdelay $0x3  }
0x98: {  	_ =	strace s5  }
0x99: {  	_ =	strace $0x8FFFFFFF  }
0x9a: {  	s19 =	sld [smem:$0x3FDB];
	_ =	sdelay $0x1  }
0x9b: {  	s6 =	simm.s32 $_scs_section_size  }
0x9c: {  	s7 =	simm.s32 $_size__tile_overlayer_lowered;
	s8 =	simm.s32 $_tile_overlayer_lowered  }
0x9d: {  	s22 =	simm.s32 $0x1BFF;
	s21 =	sshll.u32 s8, $0x1;
	s5 =	sadd.s32 s6, s19  }
0x9e: {  	s9 =	simm.s32 $0x0;
	s20 =	sshll.u32 s7, $0x1;
	s7 =	sadd.s32 s21, s5  }
0x9f: {  	[timem:s9], [sflag:s22] =	dma.local [hbm:s7], s20  }
0xa0: {  	_ =	swait.ge [sflag:s22], s20  }
0xa1: {  	s6 =	ssub.s32 $0x0, s20;
	[sflag:s22] =	ssyncset.done $0x0  }
0xa2: {  	[sflag:s22] =	ssyncadd.s32 s6;
	_ =	sdelay $0x1  }
0xa3: {  	s23 =	simm.s32 $0x1B8B  }
0xa4: {  	_ =	swait.ge [sflag:s23], $0x1  }
0xa5: {  	[sflag:s23] =	ssyncset.done $0x0  }
0xa6: {  	s25 =	simm.s32 $0x1B8E;
	s24 =	sld [smem:$0x3FFE];
	[sflag:s23] =	ssyncadd.s32 $0xFFFFFFFF  }
0xa7: {  	s26 =	simm.s32 $execute0_lowered;
	[smem:$0x3FD2] =	sst s25  }
0xa8: {  	s7 =	sshll.u32 s26, $0x1;
	_ =	strace $0x80000046;
	[dreg:$0x1] =	wrdreg $0xFFFFFFFF  }
0xa9: {  	s28 =	simm.s32 $_size_execute0_lowered;
	s5 =	sadd.s32 s5, s7;
	[dreg:$0x0] =	wrdreg $0x0  }
0xaa: {  	s7 =	sshll.u32 s28, $0x1;
	[dreg:$0x2] =	wrdreg s5  }
0xab: {  	[dreg:$0x3] =	wrdreg s7  }
0xac: {  	[dreg:$0x4] =	wrdreg $0xC0  }
0xad: {  	_ =	task [dreg:s9], $0x5FFFF  }
0xae: {  	[dreg:$0x1] =	wrdreg $0xFFFFFFFF  }
0xaf: {  	[dreg:$0x0] =	wrdreg $0x60  }
0xb0: {  	[dreg:$0x2] =	wrdreg s2  }
0xb1: {  	[dreg:$0x3] =	wrdreg s18  }
0xb2: {  	[dreg:$0x4] =	wrdreg s4  }
0xb3: {  	[dreg:$0x5] =	wrdreg s24  }
0xb4: {  	[dreg:$0x6] =	wrdreg $0x9  }
0xb5: {  	_ =	task.clear_ibuf [dreg:s9], $0x7FFFF;
	_ =	strace $0x90000046  }
0xb6: {  	s29 =	simm.s32 $0x9;
	_ =	strace $0x80000048  }
0xb7: {  	_ =	swait.ge [sflag:s29], $0x1  }
0xb8: {  	[sflag:s29] =	ssyncadd.s32 $0xFFFFFFFF  }
0xb9: {  	_ =	strace $0x90000048  }
0xba: {  	_ =	sfence  }
0xbb: {  	s30 =	sld [smem:$0x0];
	_ =	sdelay $0x2  }
0xbc: {  	s31 =	sshll.u32 s1, $0xD;
	s1 =	sshrl.u32 s1, $0x2  }
0xbd: {  	s3 =	sand.u32 $0x4000, s31;
	s1 =	sadd.s32 s1, s30  }
0xbe: {  	s0 =	sor.u32 s3, s0;
	s1 =	sshll.u32 s1, $0x11  }
0xbf: {  	s0 =	sor.u32 s1, s0  }
0xc0: {  	s0 =	sadd.s32 $0x8F2B, s0  }
0xc1: {  	[sflag:s0] =	ssyncadd.remote.s32 $0x1  }
0xc2: {  	_ =	sfence.sel $0xFFFF  }
0xc3: {  	[dreg:$0x0] =	wrdreg $0xFFFFFFFF;
	(pc) =	sbr.abs _section_cstart, $3  }
0xc4: {  	[dreg:$0x1] =	wrdreg $0xFFFFFFFF  }
0xc5: {  	_ =	task.clear_ibuf [dreg:s9], $0x2FFFF;
	_ =	strace $0x9FFFFFFF  }
0xc6: {  	(tm) =	ssettm $0x7FFFFFFF  }
0xc7: {  	_ =	shalt  }
tec
execute0_lowered:
.L_overlay_start_1:
0x0: {  	(tag) =	ssettag $0x1  }
0x1: {  	s0 =	rddreg [dreg:$0x0]  }
0x2: {  	s1 =	rddreg [dreg:$0x1]  }
0x3: {  	s5 =	rddreg [dreg:$0x2]  }
0x4: {  	s6 =	rddreg [dreg:$0x3]  }
0x5: {  	s3 =	srdreg.scid;
	s2 =	simm.s32 $0x0;
	s4 =	stileid.u32  }
0x6: {  	s29 =	simm.s32 $0x80;
	s30 =	simm.s32 $0x100;
	s31 =	simm.s32 $0x180  }
0x7: {  	s7 =	sand.u32 $0x1, s3;
	[smem:$0x7FF] =	sst s2;
	s10 =	sshll.u32 s4, $0x9  }
0x8: {  	s3 =	sadd.s32 $0x2A00, s6;
	_ =	strace $0x80000047;
	[dreg:$0x11] =	wrdreg s29  }
0x9: {  	s4 =	sadd.s32 $0xC2A00, s6;
	s11 =	sshll.u32 s7, $0x8;
	[dreg:$0x12] =	wrdreg s30  }
0xa: {  	s7 =	ssub.s32 $0x2, s7;
	[dreg:$0x13] =	wrdreg s31;
	s8 =	sor.u32 s11, s10  }
0xb: {  	s26 =	sshrl.u32 s7, $0x1;
	s9 =	sshrl.u32 s8, $0x3;
	s10 =	sshll.u32 s8, $0x6  }
0xc: {  	s11 =	sor.u32 $0x40, s8;
	s18 =	sor.u32 $0x80, s8;
	s8 =	sor.u32 $0xC0, s8  }
0xd: {  	s7 =	ssub.s32 s7, s26;
	s26 =	simm.s32 $0x200;
	s9 =	sadd.s32 s5, s9  }
0xe: {  	s12 =	sadd.s32 s0, s10;
	s13 =	sadd.s32 s1, s10;
	[dreg:$0x5] =	wrdreg s9  }
0xf: {  	s14 =	sshrl.u32 s11, $0x3;
	s16 =	sshll.u32 s11, $0x6;
	[dreg:$0x6] =	wrdreg s12  }
0x10: {  	s20 =	sshrl.u32 s18, $0x3;
	[dreg:$0x7] =	wrdreg s13;
	s15 =	sadd.s32 s5, s14  }
0x11: {  	s22 =	sshll.u32 s18, $0x6;
	s17 =	sadd.s32 s0, s16;
	[dreg:$0x8] =	wrdreg s15  }
0x12: {  	s25 =	sshrl.u32 s8, $0x3;
	s19 =	sadd.s32 s1, s16;
	[dreg:$0x9] =	wrdreg s17  }
0x13: {  	s8 =	sshll.u32 s8, $0x6;
	s21 =	sadd.s32 s5, s20;
	[dreg:$0xa] =	wrdreg s19  }
0x14: {  	s7 =	smax.u32 s7, $0x1;
	s23 =	sadd.s32 s0, s22;
	[dreg:$0xb] =	wrdreg s21  }
0x15: {  	s18 =	simm.s32 $0x1;
	s24 =	sadd.s32 s1, s22;
	[dreg:$0xc] =	wrdreg s23  }
0x16: {  	s5 =	sadd.s32 s5, s25;
	s0 =	sadd.s32 s0, s8;
	[dreg:$0xd] =	wrdreg s24  }
0x17: {  	v2 =	vlaneseq.u32;
	s28 =	sadd.s32 s1, s8;
	s8 =	simm.s32 $0x3;
	[dreg:$0xe] =	wrdreg s5  }
0x18: {  	vm0 =	vmmov $0xffff;
	v1 =	vshrl.u32 v2, $0x3;
	s25 =	simm.s32 $0x8200;
	[dreg:$0xf] =	wrdreg s0;
	s5 =	sadd.s32 $0x2B00, s6  }
0x19: {  	v0 =	vand.u32 $0x7, v2;
	v2 =	vor.u32 $0x8, v2;
	v1 =	vmul.u32 $0x8, v1;
	s6 =	sadd.s32 $0xC2B00, s6;
	[dreg:$0x10] =	wrdreg s28;
	s19 =	simm.s32 $0x2  }
.LBB2_1:
0x1a: {  	s20 =	rddreg [dreg:$0x5]  }
0x1b: {  	[tilespmem:s2], [sflag:$0x3] =	stream.linear.gather [hbm4b:s20+s2], $0x40, $0x38;
	[tilespmem:$0x10200] =	vst v63  }
0x1c: {  	_ =	swait.ge [sflag:s8], $0x40  }
0x1d: {  	[sflag:s8] =	ssyncset.done $0x0  }
0x1e: {  	s15 =	rddreg [dreg:$0x6];
	[sflag:s8] =	ssyncadd.s32 $0xFFFFFFC0  }
0x1f: {  	[tilespmem:s26], [sflag:$0x3] =	stream.linear.gather [hbm4b:s15+s2], $0x8000, $0x38;
	[tilespmem:$0x10200] =	vst v63  }
0x20: {  	_ =	swait.ge [sflag:s8], $0x8000  }
0x21: {  	[sflag:s8] =	ssyncset.done $0x0  }
0x22: {  	[sflag:s8] =	ssyncadd.s32 $0xFFFF8000  }
0x23: {  	v3 =	vld [tilespmem:$0x0];
	_ =	sdelay $0x4  }
0x24: {  	v4 =	vshll.u32 v3, $0x2  }
0x25: {  	v3 =	vand.u32 $0x7, v3;
	v4 =	vand.u32 $0xFFFFFFE0, v4  }
0x26: {  	v3 =	vor.u32 v3, v4  }
0x27: {  	v4 =	vperm.xlane v3, v0;
	_ =	sdelay $0x1  }
0x28: {  	v4 =	vadd.s32 v1, v4;
	_ =	sdelay $0x1  }
0x29: {  	v3 =	vperm.xlane v3, v2;
	_ =	sdelay $0x1  }
0x2a: {  	v3 =	vadd.s32 v1, v3  }
0x2b: {  	[hbm4b:s3+s2] =	stream.indirect_vreg.scatter [tilespmem:s26], [sflag:$0x1], $0x80, v4, vm0, $0xb8;
	[tilespmem:$0x10200] =	vst v63  }
0x2c: {  	s0 =	simm.s32 $0xA00  }
0x2d: {  	[hbm4b:s5+s2] =	stream.indirect_vreg.scatter [tilespmem:s0], [sflag:$0x1], $0x80, v4, vm0, $0xb8;
	[tilespmem:$0x10200] =	vst v63  }
0x2e: {  	s16 =	simm.s32 $0x1200  }
0x2f: {  	[hbm4b:s3+s2] =	stream.indirect_vreg.scatter [tilespmem:s16], [sflag:$0x1], $0x80, v3, vm0, $0xb8;
	[tilespmem:$0x10200] =	vst v63  }
0x30: {  	s17 =	simm.s32 $0x1A00  }
0x31: {  	[hbm4b:s5+s2] =	stream.indirect_vreg.scatter [tilespmem:s17], [sflag:$0x1], $0x80, v3, vm0, $0xb8;
	[tilespmem:$0x10200] =	vst v63  }
0x32: {  	v3 =	vld [tilespmem:$0x10];
	_ =	sdelay $0x4  }
0x33: {  	v33 =	vshll.u32 v3, $0x2  }
0x34: {  	v3 =	vand.u32 $0x7, v3;
	v4 =	vand.u32 $0xFFFFFFE0, v33  }
0x35: {  	v3 =	vor.u32 v3, v4  }
0x36: {  	v4 =	vperm.xlane v3, v0;
	_ =	sdelay $0x1  }
0x37: {  	v4 =	vadd.s32 v1, v4;
	_ =	sdelay $0x1  }
0x38: {  	v3 =	vperm.xlane v3, v2;
	_ =	sdelay $0x1  }
0x39: {  	s20 =	simm.s32 $0x2200;
	v3 =	vadd.s32 v1, v3  }
0x3a: {  	[hbm4b:s3+s2] =	stream.indirect_vreg.scatter [tilespmem:s20], [sflag:$0x1], $0x80, v4, vm0, $0xb8;
	[tilespmem:$0x10200] =	vst v63  }
0x3b: {  	s21 =	simm.s32 $0x2A00  }
0x3c: {  	[hbm4b:s5+s2] =	stream.indirect_vreg.scatter [tilespmem:s21], [sflag:$0x1], $0x80, v4, vm0, $0xb8;
	[tilespmem:$0x10200] =	vst v63  }
0x3d: {  	s22 =	simm.s32 $0x3200  }
0x3e: {  	[hbm4b:s3+s2] =	stream.indirect_vreg.scatter [tilespmem:s22], [sflag:$0x1], $0x80, v3, vm0, $0xb8;
	[tilespmem:$0x10200] =	vst v63  }
0x3f: {  	s23 =	simm.s32 $0x3A00  }
0x40: {  	[hbm4b:s5+s2] =	stream.indirect_vreg.scatter [tilespmem:s23], [sflag:$0x1], $0x80, v3, vm0, $0xb8;
	[tilespmem:$0x10200] =	vst v63  }
0x41: {  	v3 =	vld [tilespmem:$0x20];
	_ =	sdelay $0x4  }
0x42: {  	v34 =	vshll.u32 v3, $0x2  }
0x43: {  	v3 =	vand.u32 $0x7, v3;
	v4 =	vand.u32 $0xFFFFFFE0, v34  }
0x44: {  	v3 =	vor.u32 v3, v4  }
0x45: {  	v4 =	vperm.xlane v3, v0;
	_ =	sdelay $0x1  }
0x46: {  	v4 =	vadd.s32 v1, v4;
	_ =	sdelay $0x1  }
0x47: {  	v3 =	vperm.xlane v3, v2;
	_ =	sdelay $0x1  }
0x48: {  	s28 =	simm.s32 $0x4200;
	v3 =	vadd.s32 v1, v3  }
0x49: {  	[hbm4b:s3+s2] =	stream.indirect_vreg.scatter [tilespmem:s28], [sflag:$0x1], $0x80, v4, vm0, $0xb8;
	[tilespmem:$0x10200] =	vst v63  }
0x4a: {  	s29 =	simm.s32 $0x4A00  }
0x4b: {  	[hbm4b:s5+s2] =	stream.indirect_vreg.scatter [tilespmem:s29], [sflag:$0x1], $0x80, v4, vm0, $0xb8;
	[tilespmem:$0x10200] =	vst v63  }
0x4c: {  	s30 =	simm.s32 $0x5200  }
0x4d: {  	[hbm4b:s3+s2] =	stream.indirect_vreg.scatter [tilespmem:s30], [sflag:$0x1], $0x80, v3, vm0, $0xb8;
	[tilespmem:$0x10200] =	vst v63  }
0x4e: {  	s31 =	simm.s32 $0x5A00  }
0x4f: {  	[hbm4b:s5+s2] =	stream.indirect_vreg.scatter [tilespmem:s31], [sflag:$0x1], $0x80, v3, vm0, $0xb8;
	[tilespmem:$0x10200] =	vst v63  }
0x50: {  	v3 =	vld [tilespmem:$0x30];
	_ =	sdelay $0x4  }
0x51: {  	v35 =	vshll.u32 v3, $0x2  }
0x52: {  	v3 =	vand.u32 $0x7, v3;
	v4 =	vand.u32 $0xFFFFFFE0, v35  }
0x53: {  	v3 =	vor.u32 v3, v4  }
0x54: {  	v4 =	vperm.xlane v3, v0;
	_ =	sdelay $0x1  }
0x55: {  	v4 =	vadd.s32 v1, v4;
	_ =	sdelay $0x1  }
0x56: {  	v3 =	vperm.xlane v3, v2;
	_ =	sdelay $0x1  }
0x57: {  	s1 =	simm.s32 $0x6200;
	v3 =	vadd.s32 v1, v3  }
0x58: {  	[hbm4b:s3+s2] =	stream.indirect_vreg.scatter [tilespmem:s1], [sflag:$0x1], $0x80, v4, vm0, $0xb8;
	[tilespmem:$0x10200] =	vst v63  }
0x59: {  	s9 =	simm.s32 $0x6A00  }
0x5a: {  	[hbm4b:s5+s2] =	stream.indirect_vreg.scatter [tilespmem:s9], [sflag:$0x1], $0x80, v4, vm0, $0xb8;
	[tilespmem:$0x10200] =	vst v63  }
0x5b: {  	s11 =	simm.s32 $0x7200  }
0x5c: {  	[hbm4b:s3+s2] =	stream.indirect_vreg.scatter [tilespmem:s11], [sflag:$0x1], $0x80, v3, vm0, $0xb8;
	[tilespmem:$0x10200] =	vst v63  }
0x5d: {  	s15 =	simm.s32 $0x7A00  }
0x5e: {  	[hbm4b:s5+s2] =	stream.indirect_vreg.scatter [tilespmem:s15], [sflag:$0x1], $0x80, v3, vm0, $0xb8;
	[tilespmem:$0x10200] =	vst v63  }
0x5f: {  	s14 =	rddreg [dreg:$0x7]  }
0x60: {  	[tilespmem:s25], [sflag:$0x3] =	stream.linear.gather [hbm4b:s14+s2], $0x8000, $0x38;
	[tilespmem:$0x10200] =	vst v63  }
0x61: {  	_ =	swait.ge [sflag:s8], $0x8000  }
0x62: {  	[sflag:s8] =	ssyncset.done $0x0  }
0x63: {  	[sflag:s8] =	ssyncadd.s32 $0xFFFF8000  }
0x64: {  	v3 =	vld [tilespmem:$0x0];
	_ =	sdelay $0x4  }
0x65: {  	v36 =	vshll.u32 v3, $0x2  }
0x66: {  	v3 =	vand.u32 $0x7, v3;
	v4 =	vand.u32 $0xFFFFFFE0, v36  }
0x67: {  	v3 =	vor.u32 v3, v4  }
0x68: {  	v4 =	vperm.xlane v3, v0;
	_ =	sdelay $0x1  }
0x69: {  	v4 =	vadd.s32 v1, v4;
	_ =	sdelay $0x1  }
0x6a: {  	v3 =	vperm.xlane v3, v2;
	_ =	sdelay $0x1  }
0x6b: {  	v3 =	vadd.s32 v1, v3  }
0x6c: {  	[hbm4b:s4+s2] =	stream.indirect_vreg.scatter [tilespmem:s25], [sflag:$0x2], $0x80, v4, vm0, $0xb8;
	[tilespmem:$0x10200] =	vst v63  }
0x6d: {  	s15 =	simm.s32 $0x8A00  }
0x6e: {  	[hbm4b:s6+s2] =	stream.indirect_vreg.scatter [tilespmem:s15], [sflag:$0x2], $0x80, v4, vm0, $0xb8;
	[tilespmem:$0x10200] =	vst v63  }
0x6f: {  	s21 =	simm.s32 $0x9200  }
0x70: {  	[hbm4b:s4+s2] =	stream.indirect_vreg.scatter [tilespmem:s21], [sflag:$0x2], $0x80, v3, vm0, $0xb8;
	[tilespmem:$0x10200] =	vst v63  }
0x71: {  	s23 =	simm.s32 $0x9A00  }
0x72: {  	[hbm4b:s6+s2] =	stream.indirect_vreg.scatter [tilespmem:s23], [sflag:$0x2], $0x80, v3, vm0, $0xb8;
	[tilespmem:$0x10200] =	vst v63  }
0x73: {  	v3 =	vld [tilespmem:$0x10];
	_ =	sdelay $0x4  }
0x74: {  	v37 =	vshll.u32 v3, $0x2  }
0x75: {  	v3 =	vand.u32 $0x7, v3;
	v4 =	vand.u32 $0xFFFFFFE0, v37  }
0x76: {  	v3 =	vor.u32 v3, v4  }
0x77: {  	v4 =	vperm.xlane v3, v0;
	_ =	sdelay $0x1  }
0x78: {  	v4 =	vadd.s32 v1, v4;
	_ =	sdelay $0x1  }
0x79: {  	v3 =	vperm.xlane v3, v2;
	_ =	sdelay $0x1  }
0x7a: {  	s28 =	simm.s32 $0xA200;
	v3 =	vadd.s32 v1, v3  }
0x7b: {  	[hbm4b:s4+s2] =	stream.indirect_vreg.scatter [tilespmem:s28], [sflag:$0x2], $0x80, v4, vm0, $0xb8;
	[tilespmem:$0x10200] =	vst v63  }
0x7c: {  	s29 =	simm.s32 $0xAA00  }
0x7d: {  	[hbm4b:s6+s2] =	stream.indirect_vreg.scatter [tilespmem:s29], [sflag:$0x2], $0x80, v4, vm0, $0xb8;
	[tilespmem:$0x10200] =	vst v63  }
0x7e: {  	s30 =	simm.s32 $0xB200  }
0x7f: {  	[hbm4b:s4+s2] =	stream.indirect_vreg.scatter [tilespmem:s30], [sflag:$0x2], $0x80, v3, vm0, $0xb8;
	[tilespmem:$0x10200] =	vst v63  }
0x80: {  	s31 =	simm.s32 $0xBA00  }
0x81: {  	[hbm4b:s6+s2] =	stream.indirect_vreg.scatter [tilespmem:s31], [sflag:$0x2], $0x80, v3, vm0, $0xb8;
	[tilespmem:$0x10200] =	vst v63  }
0x82: {  	v3 =	vld [tilespmem:$0x20];
	_ =	sdelay $0x4  }
0x83: {  	v38 =	vshll.u32 v3, $0x2  }
0x84: {  	v3 =	vand.u32 $0x7, v3;
	v4 =	vand.u32 $0xFFFFFFE0, v38  }
0x85: {  	v3 =	vor.u32 v3, v4  }
0x86: {  	v4 =	vperm.xlane v3, v0;
	_ =	sdelay $0x1  }
0x87: {  	v4 =	vadd.s32 v1, v4;
	_ =	sdelay $0x1  }
0x88: {  	v3 =	vperm.xlane v3, v2;
	_ =	sdelay $0x1  }
0x89: {  	s0 =	simm.s32 $0xC200;
	v3 =	vadd.s32 v1, v3  }
0x8a: {  	[hbm4b:s4+s2] =	stream.indirect_vreg.scatter [tilespmem:s0], [sflag:$0x2], $0x80, v4, vm0, $0xb8;
	[tilespmem:$0x10200] =	vst v63  }
0x8b: {  	s14 =	simm.s32 $0xCA00  }
0x8c: {  	[hbm4b:s6+s2] =	stream.indirect_vreg.scatter [tilespmem:s14], [sflag:$0x2], $0x80, v4, vm0, $0xb8;
	[tilespmem:$0x10200] =	vst v63  }
0x8d: {  	s20 =	simm.s32 $0xD200  }
0x8e: {  	[hbm4b:s4+s2] =	stream.indirect_vreg.scatter [tilespmem:s20], [sflag:$0x2], $0x80, v3, vm0, $0xb8;
	[tilespmem:$0x10200] =	vst v63  }
0x8f: {  	s21 =	simm.s32 $0xDA00  }
0x90: {  	[hbm4b:s6+s2] =	stream.indirect_vreg.scatter [tilespmem:s21], [sflag:$0x2], $0x80, v3, vm0, $0xb8;
	[tilespmem:$0x10200] =	vst v63  }
0x91: {  	v3 =	vld [tilespmem:$0x30];
	_ =	sdelay $0x4  }
0x92: {  	v39 =	vshll.u32 v3, $0x2  }
0x93: {  	v3 =	vand.u32 $0x7, v3;
	v4 =	vand.u32 $0xFFFFFFE0, v39  }
0x94: {  	v3 =	vor.u32 v3, v4  }
0x95: {  	v4 =	vperm.xlane v3, v0;
	_ =	sdelay $0x1  }
0x96: {  	v4 =	vadd.s32 v1, v4;
	_ =	sdelay $0x1  }
0x97: {  	v3 =	vperm.xlane v3, v2;
	_ =	sdelay $0x1  }
0x98: {  	s23 =	simm.s32 $0xE200;
	v3 =	vadd.s32 v1, v3  }
0x99: {  	[hbm4b:s4+s2] =	stream.indirect_vreg.scatter [tilespmem:s23], [sflag:$0x2], $0x80, v4, vm0, $0xb8;
	[tilespmem:$0x10200] =	vst v63  }
0x9a: {  	s28 =	simm.s32 $0xEA00  }
0x9b: {  	[hbm4b:s6+s2] =	stream.indirect_vreg.scatter [tilespmem:s28], [sflag:$0x2], $0x80, v4, vm0, $0xb8;
	[tilespmem:$0x10200] =	vst v63  }
0x9c: {  	s29 =	simm.s32 $0xF200  }
0x9d: {  	[hbm4b:s4+s2] =	stream.indirect_vreg.scatter [tilespmem:s29], [sflag:$0x2], $0x80, v3, vm0, $0xb8;
	[tilespmem:$0x10200] =	vst v63  }
0x9e: {  	s30 =	rddreg [dreg:$0x8];
	s31 =	simm.s32 $0xFA00  }
0x9f: {  	[hbm4b:s6+s2] =	stream.indirect_vreg.scatter [tilespmem:s31], [sflag:$0x2], $0x80, v3, vm0, $0xb8;
	[tilespmem:$0x10200] =	vst v63  }
0xa0: {  	s21 =	rddreg [dreg:$0x11]  }
0xa1: {  	[tilespmem:s21], [sflag:$0x3] =	stream.linear.gather [hbm4b:s30+s2], $0x40, $0x38;
	[tilespmem:$0x10200] =	vst v63  }
0xa2: {  	_ =	swait.ge [sflag:s8], $0x40  }
0xa3: {  	[sflag:s8] =	ssyncset.done $0x0  }
0xa4: {  	[sflag:s8] =	ssyncadd.s32 $0xFFFFFFC0  }
0xa5: {  	_ =	swait.ge [sflag:s18], $0x8000  }
0xa6: {  	[sflag:s18] =	ssyncset.done $0x0  }
0xa7: {  	s0 =	rddreg [dreg:$0x9];
	[sflag:s18] =	ssyncadd.s32 $0xFFFF8000  }
0xa8: {  	[tilespmem:s26], [sflag:$0x3] =	stream.linear.gather [hbm4b:s0+s2], $0x8000, $0x38;
	[tilespmem:$0x10200] =	vst v63  }
0xa9: {  	_ =	swait.ge [sflag:s8], $0x8000  }
0xaa: {  	[sflag:s8] =	ssyncset.done $0x0  }
0xab: {  	[sflag:s8] =	ssyncadd.s32 $0xFFFF8000  }
0xac: {  	v3 =	vld [tilespmem:$0x80];
	_ =	sdelay $0x4  }
0xad: {  	v40 =	vshll.u32 v3, $0x2  }
0xae: {  	v3 =	vand.u32 $0x7, v3;
	v4 =	vand.u32 $0xFFFFFFE0, v40  }
0xaf: {  	v3 =	vor.u32 v3, v4  }
0xb0: {  	v4 =	vperm.xlane v3, v0;
	_ =	sdelay $0x1  }
0xb1: {  	v4 =	vadd.s32 v1, v4;
	_ =	sdelay $0x1  }
0xb2: {  	v3 =	vperm.xlane v3, v2;
	_ =	sdelay $0x1  }
0xb3: {  	v3 =	vadd.s32 v1, v3  }
0xb4: {  	[hbm4b:s3+s2] =	stream.indirect_vreg.scatter [tilespmem:s26], [sflag:$0x1], $0x80, v4, vm0, $0xb8;
	[tilespmem:$0x10200] =	vst v63  }
0xb5: {  	s10 =	simm.s32 $0xA00  }
0xb6: {  	[hbm4b:s5+s2] =	stream.indirect_vreg.scatter [tilespmem:s10], [sflag:$0x1], $0x80, v4, vm0, $0xb8;
	[tilespmem:$0x10200] =	vst v63  }
0xb7: {  	s16 =	simm.s32 $0x1200  }
0xb8: {  	[hbm4b:s3+s2] =	stream.indirect_vreg.scatter [tilespmem:s16], [sflag:$0x1], $0x80, v3, vm0, $0xb8;
	[tilespmem:$0x10200] =	vst v63  }
0xb9: {  	s28 =	simm.s32 $0x1A00  }
0xba: {  	[hbm4b:s5+s2] =	stream.indirect_vreg.scatter [tilespmem:s28], [sflag:$0x1], $0x80, v3, vm0, $0xb8;
	[tilespmem:$0x10200] =	vst v63  }
0xbb: {  	v3 =	vld [tilespmem:$0x90];
	_ =	sdelay $0x4  }
0xbc: {  	v41 =	vshll.u32 v3, $0x2  }
0xbd: {  	v3 =	vand.u32 $0x7, v3;
	v4 =	vand.u32 $0xFFFFFFE0, v41  }
0xbe: {  	v3 =	vor.u32 v3, v4  }
0xbf: {  	v4 =	vperm.xlane v3, v0;
	_ =	sdelay $0x1  }
0xc0: {  	v4 =	vadd.s32 v1, v4;
	_ =	sdelay $0x1  }
0xc1: {  	v3 =	vperm.xlane v3, v2;
	_ =	sdelay $0x1  }
0xc2: {  	s17 =	simm.s32 $0x2200;
	v3 =	vadd.s32 v1, v3  }
0xc3: {  	[hbm4b:s3+s2] =	stream.indirect_vreg.scatter [tilespmem:s17], [sflag:$0x1], $0x80, v4, vm0, $0xb8;
	[tilespmem:$0x10200] =	vst v63  }
0xc4: {  	s24 =	simm.s32 $0x2A00  }
0xc5: {  	[hbm4b:s5+s2] =	stream.indirect_vreg.scatter [tilespmem:s24], [sflag:$0x1], $0x80, v4, vm0, $0xb8;
	[tilespmem:$0x10200] =	vst v63  }
0xc6: {  	s22 =	simm.s32 $0x3200  }
0xc7: {  	[hbm4b:s3+s2] =	stream.indirect_vreg.scatter [tilespmem:s22], [sflag:$0x1], $0x80, v3, vm0, $0xb8;
	[tilespmem:$0x10200] =	vst v63  }
0xc8: {  	s30 =	simm.s32 $0x3A00  }
0xc9: {  	[hbm4b:s5+s2] =	stream.indirect_vreg.scatter [tilespmem:s30], [sflag:$0x1], $0x80, v3, vm0, $0xb8;
	[tilespmem:$0x10200] =	vst v63  }
0xca: {  	v3 =	vld [tilespmem:$0xA0];
	_ =	sdelay $0x4  }
0xcb: {  	v42 =	vshll.u32 v3, $0x2  }
0xcc: {  	v3 =	vand.u32 $0x7, v3;
	v4 =	vand.u32 $0xFFFFFFE0, v42  }
0xcd: {  	v3 =	vor.u32 v3, v4  }
0xce: {  	v4 =	vperm.xlane v3, v0;
	_ =	sdelay $0x1  }
0xcf: {  	v4 =	vadd.s32 v1, v4;
	_ =	sdelay $0x1  }
0xd0: {  	v3 =	vperm.xlane v3, v2;
	_ =	sdelay $0x1  }
0xd1: {  	s23 =	simm.s32 $0x4200;
	v3 =	vadd.s32 v1, v3  }
0xd2: {  	[hbm4b:s3+s2] =	stream.indirect_vreg.scatter [tilespmem:s23], [sflag:$0x1], $0x80, v4, vm0, $0xb8;
	[tilespmem:$0x10200] =	vst v63  }
0xd3: {  	s12 =	simm.s32 $0x4A00  }
0xd4: {  	[hbm4b:s5+s2] =	stream.indirect_vreg.scatter [tilespmem:s12], [sflag:$0x1], $0x80, v4, vm0, $0xb8;
	[tilespmem:$0x10200] =	vst v63  }
0xd5: {  	s13 =	simm.s32 $0x5200  }
0xd6: {  	[hbm4b:s3+s2] =	stream.indirect_vreg.scatter [tilespmem:s13], [sflag:$0x1], $0x80, v3, vm0, $0xb8;
	[tilespmem:$0x10200] =	vst v63  }
0xd7: {  	s24 =	simm.s32 $0x5A00  }
0xd8: {  	[hbm4b:s5+s2] =	stream.indirect_vreg.scatter [tilespmem:s24], [sflag:$0x1], $0x80, v3, vm0, $0xb8;
	[tilespmem:$0x10200] =	vst v63  }
0xd9: {  	v3 =	vld [tilespmem:$0xB0];
	_ =	sdelay $0x4  }
0xda: {  	v43 =	vshll.u32 v3, $0x2  }
0xdb: {  	v3 =	vand.u32 $0x7, v3;
	v4 =	vand.u32 $0xFFFFFFE0, v43  }
0xdc: {  	v3 =	vor.u32 v3, v4  }
0xdd: {  	v4 =	vperm.xlane v3, v0;
	_ =	sdelay $0x1  }
0xde: {  	v4 =	vadd.s32 v1, v4;
	_ =	sdelay $0x1  }
0xdf: {  	v3 =	vperm.xlane v3, v2;
	_ =	sdelay $0x1  }
0xe0: {  	s16 =	simm.s32 $0x6200;
	v3 =	vadd.s32 v1, v3  }
0xe1: {  	[hbm4b:s3+s2] =	stream.indirect_vreg.scatter [tilespmem:s16], [sflag:$0x1], $0x80, v4, vm0, $0xb8;
	[tilespmem:$0x10200] =	vst v63  }
0xe2: {  	s17 =	simm.s32 $0x6A00  }
0xe3: {  	[hbm4b:s5+s2] =	stream.indirect_vreg.scatter [tilespmem:s17], [sflag:$0x1], $0x80, v4, vm0, $0xb8;
	[tilespmem:$0x10200] =	vst v63  }
0xe4: {  	s22 =	simm.s32 $0x7200  }
0xe5: {  	[hbm4b:s3+s2] =	stream.indirect_vreg.scatter [tilespmem:s22], [sflag:$0x1], $0x80, v3, vm0, $0xb8;
	[tilespmem:$0x10200] =	vst v63  }
0xe6: {  	s31 =	simm.s32 $0x7A00  }
0xe7: {  	[hbm4b:s5+s2] =	stream.indirect_vreg.scatter [tilespmem:s31], [sflag:$0x1], $0x80, v3, vm0, $0xb8;
	[tilespmem:$0x10200] =	vst v63  }
0xe8: {  	_ =	swait.ge [sflag:s19], $0x8000  }
0xe9: {  	[sflag:s19] =	ssyncset.done $0x0  }
0xea: {  	s15 =	rddreg [dreg:$0xa];
	[sflag:s19] =	ssyncadd.s32 $0xFFFF8000  }
0xeb: {  	[tilespmem:s25], [sflag:$0x3] =	stream.linear.gather [hbm4b:s15+s2], $0x8000, $0x38;
	[tilespmem:$0x10200] =	vst v63  }
0xec: {  	_ =	swait.ge [sflag:s8], $0x8000  }
0xed: {  	[sflag:s8] =	ssyncset.done $0x0  }
0xee: {  	[sflag:s8] =	ssyncadd.s32 $0xFFFF8000  }
0xef: {  	v3 =	vld [tilespmem:$0x80];
	_ =	sdelay $0x4  }
0xf0: {  	v44 =	vshll.u32 v3, $0x2  }
0xf1: {  	v3 =	vand.u32 $0x7, v3;
	v4 =	vand.u32 $0xFFFFFFE0, v44  }
0xf2: {  	v3 =	vor.u32 v3, v4  }
0xf3: {  	v4 =	vperm.xlane v3, v0;
	_ =	sdelay $0x1  }
0xf4: {  	v4 =	vadd.s32 v1, v4;
	_ =	sdelay $0x1  }
0xf5: {  	v3 =	vperm.xlane v3, v2;
	_ =	sdelay $0x1  }
0xf6: {  	v3 =	vadd.s32 v1, v3  }
0xf7: {  	[hbm4b:s4+s2] =	stream.indirect_vreg.scatter [tilespmem:s25], [sflag:$0x2], $0x80, v4, vm0, $0xb8;
	[tilespmem:$0x10200] =	vst v63  }
0xf8: {  	s0 =	simm.s32 $0x8A00  }
0xf9: {  	[hbm4b:s6+s2] =	stream.indirect_vreg.scatter [tilespmem:s0], [sflag:$0x2], $0x80, v4, vm0, $0xb8;
	[tilespmem:$0x10200] =	vst v63  }
0xfa: {  	s1 =	simm.s32 $0x9200  }
0xfb: {  	[hbm4b:s4+s2] =	stream.indirect_vreg.scatter [tilespmem:s1], [sflag:$0x2], $0x80, v3, vm0, $0xb8;
	[tilespmem:$0x10200] =	vst v63  }
0xfc: {  	s9 =	simm.s32 $0x9A00  }
0xfd: {  	[hbm4b:s6+s2] =	stream.indirect_vreg.scatter [tilespmem:s9], [sflag:$0x2], $0x80, v3, vm0, $0xb8;
	[tilespmem:$0x10200] =	vst v63  }
0xfe: {  	v3 =	vld [tilespmem:$0x90];
	_ =	sdelay $0x4  }
0xff: {  	v45 =	vshll.u32 v3, $0x2  }
0x100: {  	v3 =	vand.u32 $0x7, v3;
	v4 =	vand.u32 $0xFFFFFFE0, v45  }
0x101: {  	v3 =	vor.u32 v3, v4  }
0x102: {  	v4 =	vperm.xlane v3, v0;
	_ =	sdelay $0x1  }
0x103: {  	v4 =	vadd.s32 v1, v4;
	_ =	sdelay $0x1  }
0x104: {  	v3 =	vperm.xlane v3, v2;
	_ =	sdelay $0x1  }
0x105: {  	s1 =	simm.s32 $0xA200;
	v3 =	vadd.s32 v1, v3  }
0x106: {  	[hbm4b:s4+s2] =	stream.indirect_vreg.scatter [tilespmem:s1], [sflag:$0x2], $0x80, v4, vm0, $0xb8;
	[tilespmem:$0x10200] =	vst v63  }
0x107: {  	s9 =	simm.s32 $0xAA00  }
0x108: {  	[hbm4b:s6+s2] =	stream.indirect_vreg.scatter [tilespmem:s9], [sflag:$0x2], $0x80, v4, vm0, $0xb8;
	[tilespmem:$0x10200] =	vst v63  }
0x109: {  	s10 =	simm.s32 $0xB200  }
0x10a: {  	[hbm4b:s4+s2] =	stream.indirect_vreg.scatter [tilespmem:s10], [sflag:$0x2], $0x80, v3, vm0, $0xb8;
	[tilespmem:$0x10200] =	vst v63  }
0x10b: {  	s11 =	simm.s32 $0xBA00  }
0x10c: {  	[hbm4b:s6+s2] =	stream.indirect_vreg.scatter [tilespmem:s11], [sflag:$0x2], $0x80, v3, vm0, $0xb8;
	[tilespmem:$0x10200] =	vst v63  }
0x10d: {  	v3 =	vld [tilespmem:$0xA0];
	_ =	sdelay $0x4  }
0x10e: {  	v46 =	vshll.u32 v3, $0x2  }
0x10f: {  	v3 =	vand.u32 $0x7, v3;
	v4 =	vand.u32 $0xFFFFFFE0, v46  }
0x110: {  	v3 =	vor.u32 v3, v4  }
0x111: {  	v4 =	vperm.xlane v3, v0;
	_ =	sdelay $0x1  }
0x112: {  	v4 =	vadd.s32 v1, v4;
	_ =	sdelay $0x1  }
0x113: {  	v3 =	vperm.xlane v3, v2;
	_ =	sdelay $0x1  }
0x114: {  	s11 =	simm.s32 $0xC200;
	v3 =	vadd.s32 v1, v3  }
0x115: {  	[hbm4b:s4+s2] =	stream.indirect_vreg.scatter [tilespmem:s11], [sflag:$0x2], $0x80, v4, vm0, $0xb8;
	[tilespmem:$0x10200] =	vst v63  }
0x116: {  	s12 =	simm.s32 $0xCA00  }
0x117: {  	[hbm4b:s6+s2] =	stream.indirect_vreg.scatter [tilespmem:s12], [sflag:$0x2], $0x80, v4, vm0, $0xb8;
	[tilespmem:$0x10200] =	vst v63  }
0x118: {  	s13 =	simm.s32 $0xD200  }
0x119: {  	[hbm4b:s4+s2] =	stream.indirect_vreg.scatter [tilespmem:s13], [sflag:$0x2], $0x80, v3, vm0, $0xb8;
	[tilespmem:$0x10200] =	vst v63  }
0x11a: {  	s14 =	simm.s32 $0xDA00  }
0x11b: {  	[hbm4b:s6+s2] =	stream.indirect_vreg.scatter [tilespmem:s14], [sflag:$0x2], $0x80, v3, vm0, $0xb8;
	[tilespmem:$0x10200] =	vst v63  }
0x11c: {  	v3 =	vld [tilespmem:$0xB0];
	_ =	sdelay $0x4  }
0x11d: {  	v47 =	vshll.u32 v3, $0x2  }
0x11e: {  	v3 =	vand.u32 $0x7, v3;
	v4 =	vand.u32 $0xFFFFFFE0, v47  }
0x11f: {  	v3 =	vor.u32 v3, v4  }
0x120: {  	v4 =	vperm.xlane v3, v0;
	_ =	sdelay $0x1  }
0x121: {  	v4 =	vadd.s32 v1, v4;
	_ =	sdelay $0x1  }
0x122: {  	v3 =	vperm.xlane v3, v2;
	_ =	sdelay $0x1  }
0x123: {  	s14 =	simm.s32 $0xE200;
	v3 =	vadd.s32 v1, v3  }
0x124: {  	[hbm4b:s4+s2] =	stream.indirect_vreg.scatter [tilespmem:s14], [sflag:$0x2], $0x80, v4, vm0, $0xb8;
	[tilespmem:$0x10200] =	vst v63  }
0x125: {  	s15 =	simm.s32 $0xEA00  }
0x126: {  	[hbm4b:s6+s2] =	stream.indirect_vreg.scatter [tilespmem:s15], [sflag:$0x2], $0x80, v4, vm0, $0xb8;
	[tilespmem:$0x10200] =	vst v63  }
0x127: {  	s29 =	simm.s32 $0xF200  }
0x128: {  	[hbm4b:s4+s2] =	stream.indirect_vreg.scatter [tilespmem:s29], [sflag:$0x2], $0x80, v3, vm0, $0xb8;
	[tilespmem:$0x10200] =	vst v63  }
0x129: {  	s20 =	rddreg [dreg:$0xb];
	s29 =	simm.s32 $0xFA00  }
0x12a: {  	[hbm4b:s6+s2] =	stream.indirect_vreg.scatter [tilespmem:s29], [sflag:$0x2], $0x80, v3, vm0, $0xb8;
	[tilespmem:$0x10200] =	vst v63  }
0x12b: {  	s21 =	rddreg [dreg:$0x12]  }
0x12c: {  	[tilespmem:s21], [sflag:$0x3] =	stream.linear.gather [hbm4b:s20+s2], $0x40, $0x38;
	[tilespmem:$0x10200] =	vst v63  }
0x12d: {  	_ =	swait.ge [sflag:s8], $0x40  }
0x12e: {  	[sflag:s8] =	ssyncset.done $0x0  }
0x12f: {  	[sflag:s8] =	ssyncadd.s32 $0xFFFFFFC0  }
0x130: {  	_ =	swait.ge [sflag:s18], $0x8000  }
0x131: {  	[sflag:s18] =	ssyncset.done $0x0  }
0x132: {  	s21 =	rddreg [dreg:$0xc];
	[sflag:s18] =	ssyncadd.s32 $0xFFFF8000  }
0x133: {  	[tilespmem:s26], [sflag:$0x3] =	stream.linear.gather [hbm4b:s21+s2], $0x8000, $0x38;
	[tilespmem:$0x10200] =	vst v63  }
0x134: {  	_ =	swait.ge [sflag:s8], $0x8000  }
0x135: {  	[sflag:s8] =	ssyncset.done $0x0  }
0x136: {  	[sflag:s8] =	ssyncadd.s32 $0xFFFF8000  }
0x137: {  	v3 =	vld [tilespmem:$0x100];
	_ =	sdelay $0x4  }
0x138: {  	v48 =	vshll.u32 v3, $0x2  }
0x139: {  	v3 =	vand.u32 $0x7, v3;
	v4 =	vand.u32 $0xFFFFFFE0, v48  }
0x13a: {  	v3 =	vor.u32 v3, v4  }
0x13b: {  	v4 =	vperm.xlane v3, v0;
	_ =	sdelay $0x1  }
0x13c: {  	v4 =	vadd.s32 v1, v4;
	_ =	sdelay $0x1  }
0x13d: {  	v3 =	vperm.xlane v3, v2;
	_ =	sdelay $0x1  }
0x13e: {  	v3 =	vadd.s32 v1, v3  }
0x13f: {  	[hbm4b:s3+s2] =	stream.indirect_vreg.scatter [tilespmem:s26], [sflag:$0x1], $0x80, v4, vm0, $0xb8;
	[tilespmem:$0x10200] =	vst v63  }
0x140: {  	s29 =	simm.s32 $0xA00  }
0x141: {  	[hbm4b:s5+s2] =	stream.indirect_vreg.scatter [tilespmem:s29], [sflag:$0x1], $0x80, v4, vm0, $0xb8;
	[tilespmem:$0x10200] =	vst v63  }
0x142: {  	s21 =	simm.s32 $0x1200  }
0x143: {  	[hbm4b:s3+s2] =	stream.indirect_vreg.scatter [tilespmem:s21], [sflag:$0x1], $0x80, v3, vm0, $0xb8;
	[tilespmem:$0x10200] =	vst v63  }
0x144: {  	_ = 	snop  }
0x145: {  	[hbm4b:s5+s2] =	stream.indirect_vreg.scatter [tilespmem:s28], [sflag:$0x1], $0x80, v3, vm0, $0xb8;
	[tilespmem:$0x10200] =	vst v63  }
0x146: {  	v3 =	vld [tilespmem:$0x110];
	_ =	sdelay $0x4  }
0x147: {  	v49 =	vshll.u32 v3, $0x2  }
0x148: {  	v3 =	vand.u32 $0x7, v3;
	v4 =	vand.u32 $0xFFFFFFE0, v49  }
0x149: {  	v3 =	vor.u32 v3, v4  }
0x14a: {  	v4 =	vperm.xlane v3, v0;
	_ =	sdelay $0x1  }
0x14b: {  	v4 =	vadd.s32 v1, v4;
	_ =	sdelay $0x1  }
0x14c: {  	v3 =	vperm.xlane v3, v2;
	_ =	sdelay $0x1  }
0x14d: {  	s28 =	simm.s32 $0x2200;
	v3 =	vadd.s32 v1, v3  }
0x14e: {  	[hbm4b:s3+s2] =	stream.indirect_vreg.scatter [tilespmem:s28], [sflag:$0x1], $0x80, v4, vm0, $0xb8;
	[tilespmem:$0x10200] =	vst v63  }
0x14f: {  	s29 =	simm.s32 $0x2A00  }
0x150: {  	[hbm4b:s5+s2] =	stream.indirect_vreg.scatter [tilespmem:s29], [sflag:$0x1], $0x80, v4, vm0, $0xb8;
	[tilespmem:$0x10200] =	vst v63  }
0x151: {  	s21 =	simm.s32 $0x3200  }
0x152: {  	[hbm4b:s3+s2] =	stream.indirect_vreg.scatter [tilespmem:s21], [sflag:$0x1], $0x80, v3, vm0, $0xb8;
	[tilespmem:$0x10200] =	vst v63  }
0x153: {  	_ = 	snop  }
0x154: {  	[hbm4b:s5+s2] =	stream.indirect_vreg.scatter [tilespmem:s30], [sflag:$0x1], $0x80, v3, vm0, $0xb8;
	[tilespmem:$0x10200] =	vst v63  }
0x155: {  	v3 =	vld [tilespmem:$0x120];
	_ =	sdelay $0x4  }
0x156: {  	v50 =	vshll.u32 v3, $0x2  }
0x157: {  	v3 =	vand.u32 $0x7, v3;
	v4 =	vand.u32 $0xFFFFFFE0, v50  }
0x158: {  	v3 =	vor.u32 v3, v4  }
0x159: {  	v4 =	vperm.xlane v3, v0;
	_ =	sdelay $0x1  }
0x15a: {  	v4 =	vadd.s32 v1, v4;
	_ =	sdelay $0x1  }
0x15b: {  	v3 =	vperm.xlane v3, v2;
	_ =	sdelay $0x1  }
0x15c: {  	v3 =	vadd.s32 v1, v3  }
0x15d: {  	[hbm4b:s3+s2] =	stream.indirect_vreg.scatter [tilespmem:s23], [sflag:$0x1], $0x80, v4, vm0, $0xb8;
	[tilespmem:$0x10200] =	vst v63  }
0x15e: {  	s23 =	simm.s32 $0x4A00  }
0x15f: {  	[hbm4b:s5+s2] =	stream.indirect_vreg.scatter [tilespmem:s23], [sflag:$0x1], $0x80, v4, vm0, $0xb8;
	[tilespmem:$0x10200] =	vst v63  }
0x160: {  	s30 =	simm.s32 $0x5200  }
0x161: {  	[hbm4b:s3+s2] =	stream.indirect_vreg.scatter [tilespmem:s30], [sflag:$0x1], $0x80, v3, vm0, $0xb8;
	[tilespmem:$0x10200] =	vst v63  }
0x162: {  	_ = 	snop  }
0x163: {  	[hbm4b:s5+s2] =	stream.indirect_vreg.scatter [tilespmem:s24], [sflag:$0x1], $0x80, v3, vm0, $0xb8;
	[tilespmem:$0x10200] =	vst v63  }
0x164: {  	v3 =	vld [tilespmem:$0x130];
	_ =	sdelay $0x4  }
0x165: {  	v51 =	vshll.u32 v3, $0x2  }
0x166: {  	v3 =	vand.u32 $0x7, v3;
	v4 =	vand.u32 $0xFFFFFFE0, v51  }
0x167: {  	v3 =	vor.u32 v3, v4  }
0x168: {  	v4 =	vperm.xlane v3, v0;
	_ =	sdelay $0x1  }
0x169: {  	v4 =	vadd.s32 v1, v4;
	_ =	sdelay $0x1  }
0x16a: {  	v3 =	vperm.xlane v3, v2;
	_ =	sdelay $0x1  }
0x16b: {  	v3 =	vadd.s32 v1, v3  }
0x16c: {  	[hbm4b:s3+s2] =	stream.indirect_vreg.scatter [tilespmem:s16], [sflag:$0x1], $0x80, v4, vm0, $0xb8;
	[tilespmem:$0x10200] =	vst v63  }
0x16d: {  	_ = 	snop  }
0x16e: {  	[hbm4b:s5+s2] =	stream.indirect_vreg.scatter [tilespmem:s17], [sflag:$0x1], $0x80, v4, vm0, $0xb8;
	[tilespmem:$0x10200] =	vst v63  }
0x16f: {  	_ = 	snop  }
0x170: {  	[hbm4b:s3+s2] =	stream.indirect_vreg.scatter [tilespmem:s22], [sflag:$0x1], $0x80, v3, vm0, $0xb8;
	[tilespmem:$0x10200] =	vst v63  }
0x171: {  	_ = 	snop  }
0x172: {  	[hbm4b:s5+s2] =	stream.indirect_vreg.scatter [tilespmem:s31], [sflag:$0x1], $0x80, v3, vm0, $0xb8;
	[tilespmem:$0x10200] =	vst v63  }
0x173: {  	_ =	swait.ge [sflag:s19], $0x8000  }
0x174: {  	[sflag:s19] =	ssyncset.done $0x0  }
0x175: {  	s21 =	rddreg [dreg:$0xd];
	[sflag:s19] =	ssyncadd.s32 $0xFFFF8000  }
0x176: {  	[tilespmem:s25], [sflag:$0x3] =	stream.linear.gather [hbm4b:s21+s2], $0x8000, $0x38;
	[tilespmem:$0x10200] =	vst v63  }
0x177: {  	_ =	swait.ge [sflag:s8], $0x8000  }
0x178: {  	[sflag:s8] =	ssyncset.done $0x0  }
0x179: {  	[sflag:s8] =	ssyncadd.s32 $0xFFFF8000  }
0x17a: {  	v3 =	vld [tilespmem:$0x100];
	_ =	sdelay $0x4  }
0x17b: {  	v52 =	vshll.u32 v3, $0x2  }
0x17c: {  	v3 =	vand.u32 $0x7, v3;
	v4 =	vand.u32 $0xFFFFFFE0, v52  }
0x17d: {  	v3 =	vor.u32 v3, v4  }
0x17e: {  	v4 =	vperm.xlane v3, v0;
	_ =	sdelay $0x1  }
0x17f: {  	v4 =	vadd.s32 v1, v4;
	_ =	sdelay $0x1  }
0x180: {  	v3 =	vperm.xlane v3, v2;
	_ =	sdelay $0x1  }
0x181: {  	v3 =	vadd.s32 v1, v3  }
0x182: {  	[hbm4b:s4+s2] =	stream.indirect_vreg.scatter [tilespmem:s25], [sflag:$0x2], $0x80, v4, vm0, $0xb8;
	[tilespmem:$0x10200] =	vst v63  }
0x183: {  	_ = 	snop  }
0x184: {  	[hbm4b:s6+s2] =	stream.indirect_vreg.scatter [tilespmem:s0], [sflag:$0x2], $0x80, v4, vm0, $0xb8;
	[tilespmem:$0x10200] =	vst v63  }
0x185: {  	s30 =	simm.s32 $0x9200  }
0x186: {  	[hbm4b:s4+s2] =	stream.indirect_vreg.scatter [tilespmem:s30], [sflag:$0x2], $0x80, v3, vm0, $0xb8;
	[tilespmem:$0x10200] =	vst v63  }
0x187: {  	s31 =	simm.s32 $0x9A00  }
0x188: {  	[hbm4b:s6+s2] =	stream.indirect_vreg.scatter [tilespmem:s31], [sflag:$0x2], $0x80, v3, vm0, $0xb8;
	[tilespmem:$0x10200] =	vst v63  }
0x189: {  	v3 =	vld [tilespmem:$0x110];
	_ =	sdelay $0x4  }
0x18a: {  	v53 =	vshll.u32 v3, $0x2  }
0x18b: {  	v3 =	vand.u32 $0x7, v3;
	v4 =	vand.u32 $0xFFFFFFE0, v53  }
0x18c: {  	v3 =	vor.u32 v3, v4  }
0x18d: {  	v4 =	vperm.xlane v3, v0;
	_ =	sdelay $0x1  }
0x18e: {  	v4 =	vadd.s32 v1, v4;
	_ =	sdelay $0x1  }
0x18f: {  	v3 =	vperm.xlane v3, v2;
	_ =	sdelay $0x1  }
0x190: {  	v3 =	vadd.s32 v1, v3  }
0x191: {  	[hbm4b:s4+s2] =	stream.indirect_vreg.scatter [tilespmem:s1], [sflag:$0x2], $0x80, v4, vm0, $0xb8;
	[tilespmem:$0x10200] =	vst v63  }
0x192: {  	_ = 	snop  }
0x193: {  	[hbm4b:s6+s2] =	stream.indirect_vreg.scatter [tilespmem:s9], [sflag:$0x2], $0x80, v4, vm0, $0xb8;
	[tilespmem:$0x10200] =	vst v63  }
0x194: {  	_ = 	snop  }
0x195: {  	[hbm4b:s4+s2] =	stream.indirect_vreg.scatter [tilespmem:s10], [sflag:$0x2], $0x80, v3, vm0, $0xb8;
	[tilespmem:$0x10200] =	vst v63  }
0x196: {  	s0 =	simm.s32 $0xBA00  }
0x197: {  	[hbm4b:s6+s2] =	stream.indirect_vreg.scatter [tilespmem:s0], [sflag:$0x2], $0x80, v3, vm0, $0xb8;
	[tilespmem:$0x10200] =	vst v63  }
0x198: {  	v3 =	vld [tilespmem:$0x120];
	_ =	sdelay $0x4  }
0x199: {  	v54 =	vshll.u32 v3, $0x2  }
0x19a: {  	v3 =	vand.u32 $0x7, v3;
	v4 =	vand.u32 $0xFFFFFFE0, v54  }
0x19b: {  	v3 =	vor.u32 v3, v4  }
0x19c: {  	v4 =	vperm.xlane v3, v0;
	_ =	sdelay $0x1  }
0x19d: {  	v4 =	vadd.s32 v1, v4;
	_ =	sdelay $0x1  }
0x19e: {  	v3 =	vperm.xlane v3, v2;
	_ =	sdelay $0x1  }
0x19f: {  	v3 =	vadd.s32 v1, v3  }
0x1a0: {  	[hbm4b:s4+s2] =	stream.indirect_vreg.scatter [tilespmem:s11], [sflag:$0x2], $0x80, v4, vm0, $0xb8;
	[tilespmem:$0x10200] =	vst v63  }
0x1a1: {  	_ = 	snop  }
0x1a2: {  	[hbm4b:s6+s2] =	stream.indirect_vreg.scatter [tilespmem:s12], [sflag:$0x2], $0x80, v4, vm0, $0xb8;
	[tilespmem:$0x10200] =	vst v63  }
0x1a3: {  	_ = 	snop  }
0x1a4: {  	[hbm4b:s4+s2] =	stream.indirect_vreg.scatter [tilespmem:s13], [sflag:$0x2], $0x80, v3, vm0, $0xb8;
	[tilespmem:$0x10200] =	vst v63  }
0x1a5: {  	s21 =	simm.s32 $0xDA00  }
0x1a6: {  	[hbm4b:s6+s2] =	stream.indirect_vreg.scatter [tilespmem:s21], [sflag:$0x2], $0x80, v3, vm0, $0xb8;
	[tilespmem:$0x10200] =	vst v63  }
0x1a7: {  	v3 =	vld [tilespmem:$0x130];
	_ =	sdelay $0x4  }
0x1a8: {  	v55 =	vshll.u32 v3, $0x2  }
0x1a9: {  	v3 =	vand.u32 $0x7, v3;
	v4 =	vand.u32 $0xFFFFFFE0, v55  }
0x1aa: {  	v3 =	vor.u32 v3, v4  }
0x1ab: {  	v4 =	vperm.xlane v3, v0;
	_ =	sdelay $0x1  }
0x1ac: {  	v4 =	vadd.s32 v1, v4;
	_ =	sdelay $0x1  }
0x1ad: {  	v3 =	vperm.xlane v3, v2;
	_ =	sdelay $0x1  }
0x1ae: {  	v3 =	vadd.s32 v1, v3  }
0x1af: {  	[hbm4b:s4+s2] =	stream.indirect_vreg.scatter [tilespmem:s14], [sflag:$0x2], $0x80, v4, vm0, $0xb8;
	[tilespmem:$0x10200] =	vst v63  }
0x1b0: {  	_ = 	snop  }
0x1b1: {  	[hbm4b:s6+s2] =	stream.indirect_vreg.scatter [tilespmem:s15], [sflag:$0x2], $0x80, v4, vm0, $0xb8;
	[tilespmem:$0x10200] =	vst v63  }
0x1b2: {  	s0 =	simm.s32 $0xF200  }
0x1b3: {  	[hbm4b:s4+s2] =	stream.indirect_vreg.scatter [tilespmem:s0], [sflag:$0x2], $0x80, v3, vm0, $0xb8;
	[tilespmem:$0x10200] =	vst v63  }
0x1b4: {  	s20 =	rddreg [dreg:$0xe];
	s0 =	simm.s32 $0xFA00  }
0x1b5: {  	[hbm4b:s6+s2] =	stream.indirect_vreg.scatter [tilespmem:s0], [sflag:$0x2], $0x80, v3, vm0, $0xb8;
	[tilespmem:$0x10200] =	vst v63  }
0x1b6: {  	s21 =	rddreg [dreg:$0x13]  }
0x1b7: {  	[tilespmem:s21], [sflag:$0x3] =	stream.linear.gather [hbm4b:s20+s2], $0x40, $0x38;
	[tilespmem:$0x10200] =	vst v63  }
0x1b8: {  	_ =	swait.ge [sflag:s8], $0x40  }
0x1b9: {  	[sflag:s8] =	ssyncset.done $0x0  }
0x1ba: {  	[sflag:s8] =	ssyncadd.s32 $0xFFFFFFC0  }
0x1bb: {  	_ =	swait.ge [sflag:s18], $0x8000  }
0x1bc: {  	[sflag:s18] =	ssyncset.done $0x0  }
0x1bd: {  	s21 =	rddreg [dreg:$0xf];
	[sflag:s18] =	ssyncadd.s32 $0xFFFF8000  }
0x1be: {  	[tilespmem:s26], [sflag:$0x3] =	stream.linear.gather [hbm4b:s21+s2], $0x8000, $0x38;
	[tilespmem:$0x10200] =	vst v63  }
0x1bf: {  	_ =	swait.ge [sflag:s8], $0x8000  }
0x1c0: {  	[sflag:s8] =	ssyncset.done $0x0  }
0x1c1: {  	[sflag:s8] =	ssyncadd.s32 $0xFFFF8000  }
0x1c2: {  	v3 =	vld [tilespmem:$0x180];
	_ =	sdelay $0x4  }
0x1c3: {  	v56 =	vshll.u32 v3, $0x2  }
0x1c4: {  	v3 =	vand.u32 $0x7, v3;
	v4 =	vand.u32 $0xFFFFFFE0, v56  }
0x1c5: {  	v3 =	vor.u32 v3, v4  }
0x1c6: {  	v4 =	vperm.xlane v3, v0;
	_ =	sdelay $0x1  }
0x1c7: {  	v4 =	vadd.s32 v1, v4;
	_ =	sdelay $0x1  }
0x1c8: {  	v3 =	vperm.xlane v3, v2;
	_ =	sdelay $0x1  }
0x1c9: {  	v3 =	vadd.s32 v1, v3  }
0x1ca: {  	[hbm4b:s3+s2] =	stream.indirect_vreg.scatter [tilespmem:s26], [sflag:$0x1], $0x80, v4, vm0, $0xb8;
	[tilespmem:$0x10200] =	vst v63  }
0x1cb: {  	s21 =	simm.s32 $0xA00  }
0x1cc: {  	[hbm4b:s5+s2] =	stream.indirect_vreg.scatter [tilespmem:s21], [sflag:$0x1], $0x80, v4, vm0, $0xb8;
	[tilespmem:$0x10200] =	vst v63  }
0x1cd: {  	s21 =	simm.s32 $0x1200  }
0x1ce: {  	[hbm4b:s3+s2] =	stream.indirect_vreg.scatter [tilespmem:s21], [sflag:$0x1], $0x80, v3, vm0, $0xb8;
	[tilespmem:$0x10200] =	vst v63  }
0x1cf: {  	s21 =	simm.s32 $0x1A00  }
0x1d0: {  	[hbm4b:s5+s2] =	stream.indirect_vreg.scatter [tilespmem:s21], [sflag:$0x1], $0x80, v3, vm0, $0xb8;
	[tilespmem:$0x10200] =	vst v63  }
0x1d1: {  	v3 =	vld [tilespmem:$0x190];
	_ =	sdelay $0x4  }
0x1d2: {  	v57 =	vshll.u32 v3, $0x2  }
0x1d3: {  	v3 =	vand.u32 $0x7, v3;
	v4 =	vand.u32 $0xFFFFFFE0, v57  }
0x1d4: {  	v3 =	vor.u32 v3, v4  }
0x1d5: {  	v4 =	vperm.xlane v3, v0;
	_ =	sdelay $0x1  }
0x1d6: {  	v4 =	vadd.s32 v1, v4;
	_ =	sdelay $0x1  }
0x1d7: {  	v3 =	vperm.xlane v3, v2;
	_ =	sdelay $0x1  }
0x1d8: {  	s21 =	simm.s32 $0x2200;
	v3 =	vadd.s32 v1, v3  }
0x1d9: {  	[hbm4b:s3+s2] =	stream.indirect_vreg.scatter [tilespmem:s21], [sflag:$0x1], $0x80, v4, vm0, $0xb8;
	[tilespmem:$0x10200] =	vst v63  }
0x1da: {  	s21 =	simm.s32 $0x2A00  }
0x1db: {  	[hbm4b:s5+s2] =	stream.indirect_vreg.scatter [tilespmem:s21], [sflag:$0x1], $0x80, v4, vm0, $0xb8;
	[tilespmem:$0x10200] =	vst v63  }
0x1dc: {  	s21 =	simm.s32 $0x3200  }
0x1dd: {  	[hbm4b:s3+s2] =	stream.indirect_vreg.scatter [tilespmem:s21], [sflag:$0x1], $0x80, v3, vm0, $0xb8;
	[tilespmem:$0x10200] =	vst v63  }
0x1de: {  	s28 =	simm.s32 $0x3A00  }
0x1df: {  	[hbm4b:s5+s2] =	stream.indirect_vreg.scatter [tilespmem:s28], [sflag:$0x1], $0x80, v3, vm0, $0xb8;
	[tilespmem:$0x10200] =	vst v63  }
0x1e0: {  	v3 =	vld [tilespmem:$0x1A0];
	_ =	sdelay $0x4  }
0x1e1: {  	v58 =	vshll.u32 v3, $0x2  }
0x1e2: {  	v3 =	vand.u32 $0x7, v3;
	v4 =	vand.u32 $0xFFFFFFE0, v58  }
0x1e3: {  	v3 =	vor.u32 v3, v4  }
0x1e4: {  	v4 =	vperm.xlane v3, v0;
	_ =	sdelay $0x1  }
0x1e5: {  	v4 =	vadd.s32 v1, v4;
	_ =	sdelay $0x1  }
0x1e6: {  	v3 =	vperm.xlane v3, v2;
	_ =	sdelay $0x1  }
0x1e7: {  	s29 =	simm.s32 $0x4200;
	v3 =	vadd.s32 v1, v3  }
0x1e8: {  	[hbm4b:s3+s2] =	stream.indirect_vreg.scatter [tilespmem:s29], [sflag:$0x1], $0x80, v4, vm0, $0xb8;
	[tilespmem:$0x10200] =	vst v63  }
0x1e9: {  	s29 =	simm.s32 $0x4A00  }
0x1ea: {  	[hbm4b:s5+s2] =	stream.indirect_vreg.scatter [tilespmem:s29], [sflag:$0x1], $0x80, v4, vm0, $0xb8;
	[tilespmem:$0x10200] =	vst v63  }
0x1eb: {  	s21 =	simm.s32 $0x5200  }
0x1ec: {  	[hbm4b:s3+s2] =	stream.indirect_vreg.scatter [tilespmem:s21], [sflag:$0x1], $0x80, v3, vm0, $0xb8;
	[tilespmem:$0x10200] =	vst v63  }
0x1ed: {  	s23 =	simm.s32 $0x5A00  }
0x1ee: {  	[hbm4b:s5+s2] =	stream.indirect_vreg.scatter [tilespmem:s23], [sflag:$0x1], $0x80, v3, vm0, $0xb8;
	[tilespmem:$0x10200] =	vst v63  }
0x1ef: {  	v3 =	vld [tilespmem:$0x1B0];
	_ =	sdelay $0x4  }
0x1f0: {  	v59 =	vshll.u32 v3, $0x2  }
0x1f1: {  	v3 =	vand.u32 $0x7, v3;
	v4 =	vand.u32 $0xFFFFFFE0, v59  }
0x1f2: {  	v3 =	vor.u32 v3, v4  }
0x1f3: {  	v4 =	vperm.xlane v3, v0;
	_ =	sdelay $0x1  }
0x1f4: {  	v4 =	vadd.s32 v1, v4;
	_ =	sdelay $0x1  }
0x1f5: {  	v3 =	vperm.xlane v3, v2;
	_ =	sdelay $0x1  }
0x1f6: {  	s16 =	simm.s32 $0x6200;
	v3 =	vadd.s32 v1, v3  }
0x1f7: {  	[hbm4b:s3+s2] =	stream.indirect_vreg.scatter [tilespmem:s16], [sflag:$0x1], $0x80, v4, vm0, $0xb8;
	[tilespmem:$0x10200] =	vst v63  }
0x1f8: {  	s17 =	simm.s32 $0x6A00  }
0x1f9: {  	[hbm4b:s5+s2] =	stream.indirect_vreg.scatter [tilespmem:s17], [sflag:$0x1], $0x80, v4, vm0, $0xb8;
	[tilespmem:$0x10200] =	vst v63  }
0x1fa: {  	s22 =	simm.s32 $0x7200  }
0x1fb: {  	[hbm4b:s3+s2] =	stream.indirect_vreg.scatter [tilespmem:s22], [sflag:$0x1], $0x80, v3, vm0, $0xb8;
	[tilespmem:$0x10200] =	vst v63  }
0x1fc: {  	s24 =	simm.s32 $0x7A00  }
0x1fd: {  	[hbm4b:s5+s2] =	stream.indirect_vreg.scatter [tilespmem:s24], [sflag:$0x1], $0x80, v3, vm0, $0xb8;
	[tilespmem:$0x10200] =	vst v63  }
0x1fe: {  	_ =	swait.ge [sflag:s19], $0x8000  }
0x1ff: {  	[sflag:s19] =	ssyncset.done $0x0  }
0x200: {  	s24 =	rddreg [dreg:$0x10];
	[sflag:s19] =	ssyncadd.s32 $0xFFFF8000  }
0x201: {  	[tilespmem:s25], [sflag:$0x3] =	stream.linear.gather [hbm4b:s24+s2], $0x8000, $0x38;
	[tilespmem:$0x10200] =	vst v63  }
0x202: {  	_ =	swait.ge [sflag:s8], $0x8000  }
0x203: {  	[sflag:s8] =	ssyncset.done $0x0  }
0x204: {  	[sflag:s8] =	ssyncadd.s32 $0xFFFF8000  }
0x205: {  	v3 =	vld [tilespmem:$0x180];
	_ =	sdelay $0x4  }
0x206: {  	v60 =	vshll.u32 v3, $0x2  }
0x207: {  	v3 =	vand.u32 $0x7, v3;
	v4 =	vand.u32 $0xFFFFFFE0, v60  }
0x208: {  	v3 =	vor.u32 v3, v4  }
0x209: {  	v4 =	vperm.xlane v3, v0;
	_ =	sdelay $0x1  }
0x20a: {  	v4 =	vadd.s32 v1, v4;
	_ =	sdelay $0x1  }
0x20b: {  	v3 =	vperm.xlane v3, v2;
	_ =	sdelay $0x1  }
0x20c: {  	v3 =	vadd.s32 v1, v3  }
0x20d: {  	[hbm4b:s4+s2] =	stream.indirect_vreg.scatter [tilespmem:s25], [sflag:$0x2], $0x80, v4, vm0, $0xb8;
	[tilespmem:$0x10200] =	vst v63  }
0x20e: {  	s28 =	simm.s32 $0x8A00  }
0x20f: {  	[hbm4b:s6+s2] =	stream.indirect_vreg.scatter [tilespmem:s28], [sflag:$0x2], $0x80, v4, vm0, $0xb8;
	[tilespmem:$0x10200] =	vst v63  }
0x210: {  	s30 =	simm.s32 $0x9200  }
0x211: {  	[hbm4b:s4+s2] =	stream.indirect_vreg.scatter [tilespmem:s30], [sflag:$0x2], $0x80, v3, vm0, $0xb8;
	[tilespmem:$0x10200] =	vst v63  }
0x212: {  	s29 =	simm.s32 $0x9A00  }
0x213: {  	[hbm4b:s6+s2] =	stream.indirect_vreg.scatter [tilespmem:s29], [sflag:$0x2], $0x80, v3, vm0, $0xb8;
	[tilespmem:$0x10200] =	vst v63  }
0x214: {  	v3 =	vld [tilespmem:$0x190];
	_ =	sdelay $0x4  }
0x215: {  	v61 =	vshll.u32 v3, $0x2  }
0x216: {  	v3 =	vand.u32 $0x7, v3;
	v4 =	vand.u32 $0xFFFFFFE0, v61  }
0x217: {  	v3 =	vor.u32 v3, v4  }
0x218: {  	v4 =	vperm.xlane v3, v0;
	_ =	sdelay $0x1  }
0x219: {  	v4 =	vadd.s32 v1, v4;
	_ =	sdelay $0x1  }
0x21a: {  	v3 =	vperm.xlane v3, v2;
	_ =	sdelay $0x1  }
0x21b: {  	s1 =	simm.s32 $0xA200;
	v3 =	vadd.s32 v1, v3  }
0x21c: {  	[hbm4b:s4+s2] =	stream.indirect_vreg.scatter [tilespmem:s1], [sflag:$0x2], $0x80, v4, vm0, $0xb8;
	[tilespmem:$0x10200] =	vst v63  }
0x21d: {  	s9 =	simm.s32 $0xAA00  }
0x21e: {  	[hbm4b:s6+s2] =	stream.indirect_vreg.scatter [tilespmem:s9], [sflag:$0x2], $0x80, v4, vm0, $0xb8;
	[tilespmem:$0x10200] =	vst v63  }
0x21f: {  	s10 =	simm.s32 $0xB200  }
0x220: {  	[hbm4b:s4+s2] =	stream.indirect_vreg.scatter [tilespmem:s10], [sflag:$0x2], $0x80, v3, vm0, $0xb8;
	[tilespmem:$0x10200] =	vst v63  }
0x221: {  	s31 =	simm.s32 $0xBA00  }
0x222: {  	[hbm4b:s6+s2] =	stream.indirect_vreg.scatter [tilespmem:s31], [sflag:$0x2], $0x80, v3, vm0, $0xb8;
	[tilespmem:$0x10200] =	vst v63  }
0x223: {  	v3 =	vld [tilespmem:$0x1A0];
	_ =	sdelay $0x4  }
0x224: {  	v62 =	vshll.u32 v3, $0x2  }
0x225: {  	v3 =	vand.u32 $0x7, v3;
	v4 =	vand.u32 $0xFFFFFFE0, v62  }
0x226: {  	v3 =	vor.u32 v3, v4  }
0x227: {  	v4 =	vperm.xlane v3, v0;
	_ =	sdelay $0x1  }
0x228: {  	v4 =	vadd.s32 v1, v4;
	_ =	sdelay $0x1  }
0x229: {  	v3 =	vperm.xlane v3, v2;
	_ =	sdelay $0x1  }
0x22a: {  	s11 =	simm.s32 $0xC200;
	v3 =	vadd.s32 v1, v3  }
0x22b: {  	[hbm4b:s4+s2] =	stream.indirect_vreg.scatter [tilespmem:s11], [sflag:$0x2], $0x80, v4, vm0, $0xb8;
	[tilespmem:$0x10200] =	vst v63  }
0x22c: {  	s12 =	simm.s32 $0xCA00  }
0x22d: {  	[hbm4b:s6+s2] =	stream.indirect_vreg.scatter [tilespmem:s12], [sflag:$0x2], $0x80, v4, vm0, $0xb8;
	[tilespmem:$0x10200] =	vst v63  }
0x22e: {  	s13 =	simm.s32 $0xD200  }
0x22f: {  	[hbm4b:s4+s2] =	stream.indirect_vreg.scatter [tilespmem:s13], [sflag:$0x2], $0x80, v3, vm0, $0xb8;
	[tilespmem:$0x10200] =	vst v63  }
0x230: {  	s30 =	simm.s32 $0xDA00  }
0x231: {  	[hbm4b:s6+s2] =	stream.indirect_vreg.scatter [tilespmem:s30], [sflag:$0x2], $0x80, v3, vm0, $0xb8;
	[tilespmem:$0x10200] =	vst v63  }
0x232: {  	v3 =	vld [tilespmem:$0x1B0];
	_ =	sdelay $0x4  }
0x233: {  	v63 =	vshll.u32 v3, $0x2  }
0x234: {  	v3 =	vand.u32 $0x7, v3;
	v4 =	vand.u32 $0xFFFFFFE0, v63  }
0x235: {  	v3 =	vor.u32 v3, v4  }
0x236: {  	v4 =	vperm.xlane v3, v0;
	_ =	sdelay $0x1  }
0x237: {  	v4 =	vadd.s32 v1, v4;
	_ =	sdelay $0x1  }
0x238: {  	v3 =	vperm.xlane v3, v2;
	_ =	sdelay $0x1  }
0x239: {  	s14 =	simm.s32 $0xE200;
	v3 =	vadd.s32 v1, v3  }
0x23a: {  	[hbm4b:s4+s2] =	stream.indirect_vreg.scatter [tilespmem:s14], [sflag:$0x2], $0x80, v4, vm0, $0xb8;
	[tilespmem:$0x10200] =	vst v63  }
0x23b: {  	s15 =	simm.s32 $0xEA00  }
0x23c: {  	[hbm4b:s6+s2] =	stream.indirect_vreg.scatter [tilespmem:s15], [sflag:$0x2], $0x80, v4, vm0, $0xb8;
	[tilespmem:$0x10200] =	vst v63  }
0x23d: {  	s31 =	simm.s32 $0xF200  }
0x23e: {  	[hbm4b:s4+s2] =	stream.indirect_vreg.scatter [tilespmem:s31], [sflag:$0x2], $0x80, v3, vm0, $0xb8;
	[tilespmem:$0x10200] =	vst v63  }
0x23f: {  	s0 =	simm.s32 $0xFA00  }
0x240: {  	[hbm4b:s6+s2] =	stream.indirect_vreg.scatter [tilespmem:s0], [sflag:$0x2], $0x80, v3, vm0, $0xb8;
	[tilespmem:$0x10200] =	vst v63  }
0x241: {  	p0 =	sne.s32 s7, $0x1;
	_ =	swait.ge [sflag:s18], $0x8000  }
.Ltmp0:
0x242: {  	[sflag:s18] =	ssyncset.done $0x0;
	(pc) =	sbr.rel @p0 .LBB2_1-.Ltmp0, $4  }
0x243: {  	[sflag:s18] =	ssyncadd.s32 $0xFFFF8000  }
0x244: {  	_ =	swait.ge [sflag:s19], $0x8000  }
0x245: {  	[sflag:s19] =	ssyncset.done $0x0  }
0x246: {  	s7 =	sadd.s32 $0xFFFFFFFF, s7;
	[sflag:s19] =	ssyncadd.s32 $0xFFFF8000  }
0x247: {  	_ =	sfence.sel $0x180000  }
0x248: {  	[bflag:$0x0] =	sbarrier.arrive $0xFFFF  }
0x249: {  	_ =	strace $0x90000047  }
0x24a: {  	s0 =	stileid.u32;
	[bflag:$0x2] =	sbarrier.arrive $0xFFFF  }
0x24b: {  	p0 =	sne.s32 s0, $0x0;
	s0 =	rddreg [dreg:$0x4]  }
0x24c: {  	s0 =	sadd.s32 @!p0 $0x100000, s0  }
0x24d: {  	[sflag:s0] =	ssyncadd.tile.s32 @!p0 $0x1;
	_ =	shalt  }
.Lfunc_end2:
_tile_overlayer_lowered:
.L_overlay_start_2:
0x24e: {  	(tag) =	ssettag $0x2  }
0x24f: {  	s0 =	rddreg [dreg:$0x0];
	s2 =	stileid.u32  }
0x250: {  	s1 =	rddreg [dreg:$0x1];
	p0 =	sne.s32 s2, $0x0  }
0x251: {  	s3 =	rddreg [dreg:$0x2];
	[bflag:$0x3] =	sbarrier.arrive $0xFFFF;
	s2 =	simm.s32 @!p0 $0x1C03  }
0x252: {  	[timem:s3], [sflag:s2] =	dma.local @!p0 [hbm:s0], s1  }
0x253: {  	s0 =	simm.s32 @!p0 $0x3  }
0x254: {  	_ =	swait.ge @!p0 [sflag:s0], s1  }
0x255: {  	s1 =	ssub.s32 @!p0 $0x0, s1;
	[sflag:s0] =	ssyncset.done @!p0 $0x0  }
0x256: {  	[sflag:s0] =	ssyncadd.s32 @!p0 s1  }
0x257: {  	[bflag:$0x3] =	sbarrier.arrive $0xFFFF  }
0x258: {  	_ =	shalt  }

</sc_bundles>
